<compile_context>
chip_gen: v7x
topology: tpu7x:2x2x1
jax: 0.10.2.dev20260603
libtpu: 0.0.44.dev20260713+nightly
codegen_flags: <defaults>
</compile_context>

<pallas_src>
import jax
import jax.numpy as jnp
from jax import lax
from jax.experimental import pallas as pl
from jax.experimental.pallas import tpu as pltpu
from jax.experimental.pallas import tpu_sc as plsc

N_ATOMS = 500000
N_TYPES = 100
N_PROPS = 128
N_SYSTEMS = 2048

NC = 2
NS = 16
LANES = 16

HALF = N_ATOMS // NC
NGRP = 32
GSYS = N_SYSTEMS // NGRP
GBINS = GSYS * 128
NQ = NGRP // NS

SA = 15616
CBA = HALF - (NS - 1) * SA
NVA = CBA // LANES

CSZ = 16384
CMAXS = N_ATOMS - CSZ

assert CBA >= SA and CBA % LANES == 0 and SA % 8 == 0
assert CMAXS % 8 == 0


def _sc_hist_body(types_hbm, sys_hbm, out_hbm,
                  sys_v, types_v, hist_v, grploc_v, idx32_v, gbuf_v, shared_g,
                  sem_t, sem_s):
    c = lax.axis_index("c")
    s = lax.axis_index("s")
    half_lo = c * HALF
    iota16 = lax.iota(jnp.int32, LANES)

    def zero_hist(i):
        hist_v[i // 8, pl.ds((i % 8) * LANES, LANES)] = (
            jnp.zeros((LANES,), jnp.float32))
    plsc.parallel_loop(0, NQ * GBINS // LANES, unroll=8)(zero_hist)
    for v in range(NGRP // LANES):
        grploc_v[pl.ds(v * LANES, LANES)] = jnp.zeros((LANES,), jnp.float32)
        idx32_v[pl.ds(v * LANES, LANES)] = iota16 + v * LANES
        gbuf_v[pl.ds(v * LANES, LANES)] = jnp.zeros((LANES,), jnp.float32)

    @pl.when(s == 0)
    def _zero_shared():
        pltpu.sync_copy(gbuf_v, shared_g)

    with jax.named_scope("ph_A"):
        baseA = half_lo + s * SA
        limitA = jnp.where(s == NS - 1, CBA, SA)
        pltpu.sync_copy(sys_hbm.at[pl.ds(baseA, CBA)], sys_v.at[pl.ds(0, CBA)])

        def count_body(i):
            sy = sys_v[pl.ds(i * LANES, LANES)]
            grp = lax.shift_right_logical(sy, 6)
            el = (i * LANES + iota16) < limitA
            cnt, last = plsc.scan_count(grp, mask=el)
            plsc.addupdate_scatter(grploc_v, [grp], cnt.astype(jnp.float32),
                                   mask=last)
        plsc.parallel_loop(0, NVA, unroll=3)(count_body)

    with jax.named_scope("ph_merge"):
        plsc.subcore_barrier()
        pltpu.sync_copy(grploc_v, shared_g.at[idx32_v], add=True)
        plsc.subcore_barrier()
        pltpu.sync_copy(shared_g, gbuf_v)

    with jax.named_scope("ph_C"):
        for q in range(NQ):
            gq = s + q * NS
            start_i = jnp.int32(0)
            n_i = jnp.int32(0)
            for v in range(NGRP // LANES):
                cv = gbuf_v[pl.ds(v * LANES, LANES)].astype(jnp.int32)
                jv = iota16 + v * LANES
                start_i += jnp.sum(jnp.where(jv < gq, cv, 0))
                n_i += jnp.sum(jnp.where(jv == gq, cv, 0))
            start_abs = half_lo + start_i
            nq_i = n_i
            k_first = lax.shift_right_logical(start_abs, 14)
            k_last = lax.shift_right_logical(start_abs + nq_i - 1, 14)
            trip = jnp.where(nq_i > 0, k_last - k_first + 1, 0)
            qoff = q * GBINS
            sys0 = gq * GSYS

            def chunk_body(ck, _, *, k_first=k_first, start_abs=start_abs,
                           nq_i=nq_i, qoff=qoff, sys0=sys0):
                k = k_first + ck
                cstart = jnp.minimum(k * CSZ, CMAXS)
                cp_t = pltpu.async_copy(
                    types_hbm.at[pl.ds(cstart, CSZ)], types_v, sem_t)
                cp_s = pltpu.async_copy(
                    sys_hbm.at[pl.ds(cstart, CSZ)], sys_v, sem_s)
                cp_t.wait()
                cp_s.wait()
                lo = jnp.maximum(k * CSZ, start_abs)
                hi = jnp.minimum((k + 1) * CSZ, start_abs + nq_i)
                i_lo = lax.shift_right_logical(lo - cstart, 4)
                i_hi = lax.shift_right_logical(hi - cstart + 15, 4)

                def vec_body(i):
                    sy = sys_v[pl.ds(i * LANES, LANES)]
                    t = types_v[pl.ds(i * LANES, LANES)]
                    comb = (sy - sys0) * 128 + t + qoff
                    posv = cstart + i * LANES + iota16
                    m = (posv >= lo) & (posv < hi)
                    cnt, last = plsc.scan_count(comb, mask=m)
                    plsc.addupdate_scatter(
                        hist_v, [lax.shift_right_logical(comb, 7), comb & 127],
                        cnt.astype(jnp.float32), mask=last)
                plsc.parallel_loop(i_lo, i_hi, unroll=3)(vec_body)
                return _

            lax.fori_loop(0, trip, chunk_body, None)

    with jax.named_scope("ph_out"):
        for q in range(NQ):
            gq = s + q * NS
            pltpu.sync_copy(hist_v.at[pl.ds(q * GSYS, GSYS)],
                            out_hbm.at[c, pl.ds(gq * GSYS, GSYS)])


def _sc_hist(atom_types, system_indices):
    mesh = plsc.VectorSubcoreMesh(core_axis_name="c", subcore_axis_name="s")
    return pl.kernel(
        _sc_hist_body,
        out_type=jax.ShapeDtypeStruct((NC, N_SYSTEMS, 128), jnp.float32),
        mesh=mesh,
        compiler_params=pltpu.CompilerParams(needs_layout_passes=False),
        scratch_types=[
            pltpu.VMEM((CSZ,), jnp.int32),
            pltpu.VMEM((CSZ,), jnp.int32),
            pltpu.VMEM((NQ * GSYS, 128), jnp.float32),
            pltpu.VMEM((NGRP,), jnp.float32),
            pltpu.VMEM((NGRP,), jnp.int32),
            pltpu.VMEM((NGRP,), jnp.float32),
            pltpu.VMEM_SHARED((NGRP,), jnp.float32),
            pltpu.SemaphoreType.DMA,
            pltpu.SemaphoreType.DMA,
        ],
    )(atom_types, system_indices)


def _tc_matmul_body(hist_ref, w_ref, t2i_ref, out_ref):
    h = hist_ref[0] + hist_ref[1]
    r = lax.broadcasted_iota(jnp.int32, (128, 128), 1)
    m = (t2i_ref[...] == r).astype(jnp.float32)
    w_eff = jnp.dot(m, w_ref[...], preferred_element_type=jnp.float32)
    out_ref[...] = jnp.dot(h, w_eff, preferred_element_type=jnp.float32)


def _tc_matmul(hist, w_pad, t2i_pad):
    return pl.pallas_call(
        _tc_matmul_body,
        out_shape=jax.ShapeDtypeStruct((N_SYSTEMS, N_PROPS), jnp.float32),
        in_specs=[
            pl.BlockSpec(memory_space=pltpu.VMEM),
            pl.BlockSpec(memory_space=pltpu.VMEM),
            pl.BlockSpec(memory_space=pltpu.VMEM),
        ],
        out_specs=pl.BlockSpec(memory_space=pltpu.VMEM),
    )(hist, w_pad, t2i_pad)


def kernel(atom_types, system_indices, weights, type_to_index):
    hist = _sc_hist(atom_types, system_indices)
    w_pad = jnp.pad(weights, ((0, 128 - N_TYPES), (0, 0)))
    t2i_pad = jnp.pad(type_to_index, (0, 128 - N_TYPES),
                      constant_values=127).reshape(128, 1)
    return _tc_matmul(hist, w_pad, t2i_pad)

# --- scband reference (transcript-rebuilt; emitter-appended) ---
"""Pipeline reference for scband-base-composition-model-63084479643691 (READ-ONLY COPY).

The authoritative reference and input builder live on the scoring server;
editing this copy changes nothing except your own understanding.
"""

import jax
import jax.numpy as jnp
import numpy as np

N_ATOMS = 500000
N_TYPES = 100
N_PROPS = 128
N_SYSTEMS = 2048


def setup_inputs(seed: int = 0) -> dict:
    key = jax.random.key(seed)
    k1, k2, k3 = jax.random.split(key, 3)
    # per-atom atomic types (values are valid atomic types in [0, N_TYPES))
    atom_types = jax.random.randint(k1, (N_ATOMS,), 0, N_TYPES, dtype=jnp.int32)
    # per-atom structure index, sorted (atoms of a structure are contiguous)
    system_indices = jnp.sort(
        jax.random.randint(k2, (N_ATOMS,), 0, N_SYSTEMS, dtype=jnp.int32)
    )
    # fitted composition weights: one row per atomic type, one column per property
    # (this is the self.weights TensorMap block values, dtype relaxed to f32)
    weights = jax.random.normal(k3, (N_TYPES, N_PROPS), dtype=jnp.float32) * 0.05
    # type_to_index buffer mapping atomic type -> row of weights
    # (identity here since atomic_types = range(N_TYPES))
    type_to_index = jnp.arange(N_TYPES, dtype=jnp.int32)
    return {
        "atom_types": atom_types,
        "system_indices": system_indices,
        "weights": weights,
        "type_to_index": type_to_index,
    }


def reference(atom_types, system_indices, weights, type_to_index):
    # BaseCompositionModel.forward: for each atom, look up the composition
    # weight row for its atomic type (embedding lookup via type_to_index),
    # then accumulate per-structure predictions (sample_kind = 'per_structure').
    idx = jnp.take(type_to_index, atom_types, axis=0)          # [N_ATOMS]
    per_atom = jnp.take(weights, idx, axis=0)                  # [N_ATOMS, N_PROPS]
    per_structure = jax.ops.segment_sum(
        per_atom, system_indices, num_segments=N_SYSTEMS
    )                                                          # [N_SYSTEMS, N_PROPS]
    return per_structure

if __name__ == "__main__":
    import jax
    _d = setup_inputs()
    print(jax.jit(kernel)(*tuple(_d.values())))

</pallas_src>

<mosaic_0001>
#map = affine_map<(d0, d1) -> (0)>
#map1 = affine_map<(d0, d1) -> (0, 0, 0)>
module attributes {stable_mosaic.version = 14 : i64} {
  func.func @_sc_hist_body(%arg0: i32, %arg1: i32, %arg2: memref<500000xi32, #tpu.memory_space<hbm>>, %arg3: memref<500000xi32, #tpu.memory_space<hbm>>, %arg4: memref<2x2048x128xf32, #tpu.memory_space<hbm>>, %arg5: memref<16384xi32, #tpu.memory_space<vmem>>, %arg6: memref<16384xi32, #tpu.memory_space<vmem>>, %arg7: memref<128x128xf32, #tpu.memory_space<vmem>>, %arg8: memref<32xf32, #tpu.memory_space<vmem>>, %arg9: memref<32xi32, #tpu.memory_space<vmem>>, %arg10: memref<32xf32, #tpu.memory_space<vmem>>, %arg11: memref<32xf32, #tpu.memory_space<vmem_shared>>, %arg12: memref<!tpu.dma_semaphore, #tpu.memory_space<semaphore_mem>>, %arg13: memref<!tpu.dma_semaphore, #tpu.memory_space<semaphore_mem>>) attributes {dimension_semantics = [#tpu.dimension_semantics<core_parallel>, #tpu.dimension_semantics<subcore_parallel>], iteration_bounds = array<i64: 2, 16>, scalar_prefetch = 0 : i64, scratch_operands = 9 : i64, tpu.core_type = #tpu.core_type<sc_vector_subcore>, window_params = [{transform_indices = #map}, {transform_indices = #map}, {transform_indices = #map1}]} {
    %mul3A = arith.constant 250000 : i32
    %mul3A_0 = arith.muli %arg0, %mul3A : i32
    %iota3A = tpu.iota {dimensions = array<i32: 0>} : vector<16xi32>
    %parallel_loop3A = arith.constant 0 : i32
    %parallel_loop3A_1 = arith.constant 1024 : i32
    %parallel_loop3A_2 = arith.constant 1 : i32
    scf.for %parallel_loop3A_203 = %parallel_loop3A to %parallel_loop3A_1 step %parallel_loop3A_2  : i32 {
      %parallel_loop3A_204 = arith.constant 0.000000e+00 : f32
      %parallel_loop3A_205 = vector.broadcast %parallel_loop3A_204 : f32 to vector<16xf32>
      %parallel_loop3A_206 = arith.constant 8 : i32
      %parallel_loop3A_207 = arith.divsi %parallel_loop3A_203, %parallel_loop3A_206 : i32
      %parallel_loop3A_208 = arith.constant 0 : i32
      %parallel_loop3A_209 = arith.cmpi sgt, %parallel_loop3A_203, %parallel_loop3A_208 : i32
      %parallel_loop3A_210 = arith.extui %parallel_loop3A_209 : i1 to i32
      %parallel_loop3A_211 = arith.constant 0 : i32
      %parallel_loop3A_212 = arith.cmpi slt, %parallel_loop3A_203, %parallel_loop3A_211 : i32
      %parallel_loop3A_213 = arith.extui %parallel_loop3A_212 : i1 to i32
      %parallel_loop3A_214 = arith.subi %parallel_loop3A_210, %parallel_loop3A_213 : i32
      %parallel_loop3A_215 = arith.constant 0 : i32
      %parallel_loop3A_216 = arith.cmpi sgt, %parallel_loop3A_206, %parallel_loop3A_215 : i32
      %parallel_loop3A_217 = arith.extui %parallel_loop3A_216 : i1 to i32
      %parallel_loop3A_218 = arith.constant 0 : i32
      %parallel_loop3A_219 = arith.cmpi slt, %parallel_loop3A_206, %parallel_loop3A_218 : i32
      %parallel_loop3A_220 = arith.extui %parallel_loop3A_219 : i1 to i32
      %parallel_loop3A_221 = arith.subi %parallel_loop3A_217, %parallel_loop3A_220 : i32
      %parallel_loop3A_222 = arith.cmpi ne, %parallel_loop3A_214, %parallel_loop3A_221 : i32
      %parallel_loop3A_223 = arith.remsi %parallel_loop3A_203, %parallel_loop3A_206 : i32
      %parallel_loop3A_224 = arith.constant 0 : i32
      %parallel_loop3A_225 = arith.cmpi ne, %parallel_loop3A_223, %parallel_loop3A_224 : i32
      %parallel_loop3A_226 = arith.andi %parallel_loop3A_222, %parallel_loop3A_225 : i1
      %parallel_loop3A_227 = arith.constant 1 : i32
      %parallel_loop3A_228 = arith.subi %parallel_loop3A_207, %parallel_loop3A_227 : i32
      %parallel_loop3A_229 = arith.select %parallel_loop3A_226, %parallel_loop3A_228, %parallel_loop3A_207 : i32
      %parallel_loop3A_230 = arith.constant 8 : i32
      %parallel_loop3A_231 = arith.constant 0 : i32
      %parallel_loop3A_232 = arith.cmpi eq, %parallel_loop3A_230, %parallel_loop3A_231 : i32
      %parallel_loop3A_233 = arith.constant 1 : i32
      %parallel_loop3A_234 = arith.select %parallel_loop3A_232, %parallel_loop3A_233, %parallel_loop3A_230 : i32
      %parallel_loop3A_235 = arith.remsi %parallel_loop3A_203, %parallel_loop3A_234 : i32
      %parallel_loop3A_236 = arith.constant 0 : i32
      %parallel_loop3A_237 = arith.cmpi ne, %parallel_loop3A_235, %parallel_loop3A_236 : i32
      %parallel_loop3A_238 = arith.constant 0 : i32
      %parallel_loop3A_239 = arith.cmpi slt, %parallel_loop3A_235, %parallel_loop3A_238 : i32
      %parallel_loop3A_240 = arith.constant 0 : i32
      %parallel_loop3A_241 = arith.cmpi slt, %parallel_loop3A_234, %parallel_loop3A_240 : i32
      %parallel_loop3A_242 = arith.xori %parallel_loop3A_239, %parallel_loop3A_241 : i1
      %parallel_loop3A_243 = arith.andi %parallel_loop3A_242, %parallel_loop3A_237 : i1
      %parallel_loop3A_244 = arith.addi %parallel_loop3A_235, %parallel_loop3A_234 : i32
      %parallel_loop3A_245 = arith.select %parallel_loop3A_243, %parallel_loop3A_244, %parallel_loop3A_235 : i32
      %parallel_loop3A_246 = arith.constant 16 : i32
      %parallel_loop3A_247 = arith.muli %parallel_loop3A_245, %parallel_loop3A_246 : i32
      %parallel_loop3A_248 = arith.index_cast %parallel_loop3A_229 : i32 to index
      %parallel_loop3A_249 = arith.index_cast %parallel_loop3A_247 : i32 to index
      %parallel_loop3A_250 = tpu.vector_load %arg7[%parallel_loop3A_248, %parallel_loop3A_249] {strides = array<i32>} : memref<128x128xf32, #tpu.memory_space<vmem>>, vector<16xf32>,
      tpu.vector_store %arg7[%parallel_loop3A_248, %parallel_loop3A_249], %parallel_loop3A_205 {strides = array<i32>} : memref<128x128xf32, #tpu.memory_space<vmem>>, vector<16xf32>,
    } {sc.loop_unroll_factor = 8 : i64, sc.parallel_access}
    %broadcast_in_dim3A = arith.constant 0.000000e+00 : f32
    %broadcast_in_dim3A_3 = vector.broadcast %broadcast_in_dim3A : f32 to vector<16xf32>
    %swap3A = arith.constant 0 : index
    %swap3A_4 = tpu.vector_load %arg8[%swap3A] {strides = array<i32>} : memref<32xf32, #tpu.memory_space<vmem>>, vector<16xf32>,
    tpu.vector_store %arg8[%swap3A], %broadcast_in_dim3A_3 {strides = array<i32>} : memref<32xf32, #tpu.memory_space<vmem>>, vector<16xf32>,
    %add3A = arith.constant 0 : i32
    %add3A_5 = vector.broadcast %add3A : i32 to vector<16xi32>
    %add3A_6 = arith.addi %iota3A, %add3A_5 : vector<16xi32>
    %swap3A_7 = arith.constant 0 : index
    %swap3A_8 = tpu.vector_load %arg9[%swap3A_7] {strides = array<i32>} : memref<32xi32, #tpu.memory_space<vmem>>, vector<16xi32>,
    tpu.vector_store %arg9[%swap3A_7], %add3A_6 {strides = array<i32>} : memref<32xi32, #tpu.memory_space<vmem>>, vector<16xi32>,
    %broadcast_in_dim3A_9 = arith.constant 0.000000e+00 : f32
    %broadcast_in_dim3A_10 = vector.broadcast %broadcast_in_dim3A_9 : f32 to vector<16xf32>
    %swap3A_11 = arith.constant 0 : index
    %swap3A_12 = tpu.vector_load %arg10[%swap3A_11] {strides = array<i32>} : memref<32xf32, #tpu.memory_space<vmem>>, vector<16xf32>,
    tpu.vector_store %arg10[%swap3A_11], %broadcast_in_dim3A_10 {strides = array<i32>} : memref<32xf32, #tpu.memory_space<vmem>>, vector<16xf32>,
    %broadcast_in_dim3A_13 = arith.constant 0.000000e+00 : f32
    %broadcast_in_dim3A_14 = vector.broadcast %broadcast_in_dim3A_13 : f32 to vector<16xf32>
    %swap3A_15 = arith.constant 16 : index
    %swap3A_16 = tpu.vector_load %arg8[%swap3A_15] {strides = array<i32>} : memref<32xf32, #tpu.memory_space<vmem>>, vector<16xf32>,
    tpu.vector_store %arg8[%swap3A_15], %broadcast_in_dim3A_14 {strides = array<i32>} : memref<32xf32, #tpu.memory_space<vmem>>, vector<16xf32>,
    %add3A_17 = arith.constant 16 : i32
    %add3A_18 = vector.broadcast %add3A_17 : i32 to vector<16xi32>
    %add3A_19 = arith.addi %iota3A, %add3A_18 : vector<16xi32>
    %swap3A_20 = arith.constant 16 : index
    %swap3A_21 = tpu.vector_load %arg9[%swap3A_20] {strides = array<i32>} : memref<32xi32, #tpu.memory_space<vmem>>, vector<16xi32>,
    tpu.vector_store %arg9[%swap3A_20], %add3A_19 {strides = array<i32>} : memref<32xi32, #tpu.memory_space<vmem>>, vector<16xi32>,
    %broadcast_in_dim3A_22 = arith.constant 0.000000e+00 : f32
    %broadcast_in_dim3A_23 = vector.broadcast %broadcast_in_dim3A_22 : f32 to vector<16xf32>
    %swap3A_24 = arith.constant 16 : index
    %swap3A_25 = tpu.vector_load %arg10[%swap3A_24] {strides = array<i32>} : memref<32xf32, #tpu.memory_space<vmem>>, vector<16xf32>,
    tpu.vector_store %arg10[%swap3A_24], %broadcast_in_dim3A_23 {strides = array<i32>} : memref<32xf32, #tpu.memory_space<vmem>>, vector<16xf32>,
    %eq3A = arith.constant 0 : i32
    %eq3A_26 = arith.cmpi eq, %arg1, %eq3A : i32
    %convert_element_type3A = arith.extui %eq3A_26 : i1 to i32
    %cond3A = arith.constant 0 : i32
    %cond3A_27 = arith.cmpi ne, %convert_element_type3A, %cond3A : i32
    scf.if %cond3A_27 {
      "tpu.region"() ({
        %run_scoped3A = tpu.sem_alloc : memref<!tpu.dma_semaphore, #tpu.memory_space<semaphore_mem>>
        tpu.enqueue_dma source(%arg10 : memref<32xf32, #tpu.memory_space<vmem>>) target(%arg11 : memref<32xf32, #tpu.memory_space<vmem_shared>>) target_semaphore(%run_scoped3A : memref<!tpu.dma_semaphore, #tpu.memory_space<semaphore_mem>>)
        tpu.wait_dma2 semaphore(%run_scoped3A : memref<!tpu.dma_semaphore, #tpu.memory_space<semaphore_mem>>) src(%arg10 : memref<32xf32, #tpu.memory_space<vmem>>) dst(%arg11 : memref<32xf32, #tpu.memory_space<vmem_shared>>)
        tpu.yield
      }) : () -> ()
    } else {
    }
    "tpu.trace_start"() <{level = 10 : i32, message = "ph_A"}> : () -> ()
    %mul3A_28 = arith.constant 15616 : i32
    %mul3A_29 = arith.muli %arg1, %mul3A_28 : i32
    %add3A_30 = arith.addi %mul3A_0, %mul3A_29 : i32
    %eq3A_31 = arith.constant 15 : i32
    %eq3A_32 = arith.cmpi eq, %arg1, %eq3A_31 : i32
    %jit3A = arith.constant 15760 : i32
    %jit3A_33 = arith.constant 15616 : i32
    %select_n3A = arith.select %eq3A_32, %jit3A, %jit3A_33 : i32
    "tpu.region"() ({
      %run_scoped3A = tpu.sem_alloc : memref<!tpu.dma_semaphore, #tpu.memory_space<semaphore_mem>>
      %dma_start3A = arith.constant 0 : i32
      %dma_start3A_203 = tpu.memref_slice %arg5[%dma_start3A] : memref<16384xi32, #tpu.memory_space<vmem>> -> memref<15760xi32, #tpu.memory_space<vmem>>
      %dma_start3A_204 = tpu.memref_slice %arg3[%add3A_30] : memref<500000xi32, #tpu.memory_space<hbm>> -> memref<15760xi32, #tpu.memory_space<hbm>>
      %dma_start3A_205 = arith.constant 0 : i32
      %dma_start3A_206 = tpu.memref_slice %arg5[%dma_start3A_205] : memref<16384xi32, #tpu.memory_space<vmem>> -> memref<15760xi32, #tpu.memory_space<vmem>>
      %dma_start3A_207 = tpu.memref_slice %arg3[%add3A_30] : memref<500000xi32, #tpu.memory_space<hbm>> -> memref<15760xi32, #tpu.memory_space<hbm>>
      tpu.enqueue_dma source(%dma_start3A_207 : memref<15760xi32, #tpu.memory_space<hbm>>) target(%dma_start3A_206 : memref<15760xi32, #tpu.memory_space<vmem>>) target_semaphore(%run_scoped3A : memref<!tpu.dma_semaphore, #tpu.memory_space<semaphore_mem>>)
      %dma_wait3A = arith.constant 0 : i32
      %dma_wait3A_208 = tpu.memref_slice %arg5[%dma_wait3A] : memref<16384xi32, #tpu.memory_space<vmem>> -> memref<15760xi32, #tpu.memory_space<vmem>>
      %dma_wait3A_209 = tpu.memref_slice %arg3[%add3A_30] : memref<500000xi32, #tpu.memory_space<hbm>> -> memref<15760xi32, #tpu.memory_space<hbm>>
      %dma_wait3A_210 = arith.constant 0 : i32
      %dma_wait3A_211 = tpu.memref_slice %arg5[%dma_wait3A_210] : memref<16384xi32, #tpu.memory_space<vmem>> -> memref<15760xi32, #tpu.memory_space<vmem>>
      %dma_wait3A_212 = tpu.memref_slice %arg3[%add3A_30] : memref<500000xi32, #tpu.memory_space<hbm>> -> memref<15760xi32, #tpu.memory_space<hbm>>
      tpu.wait_dma2 semaphore(%run_scoped3A : memref<!tpu.dma_semaphore, #tpu.memory_space<semaphore_mem>>) src(%dma_wait3A_212 : memref<15760xi32, #tpu.memory_space<hbm>>) dst(%dma_wait3A_211 : memref<15760xi32, #tpu.memory_space<vmem>>)
      tpu.yield
    }) : () -> ()
    %parallel_loop3A_34 = arith.constant 0 : i32
    %parallel_loop3A_35 = arith.constant 985 : i32
    %parallel_loop3A_36 = arith.constant 1 : i32
    scf.for %parallel_loop3A_203 = %parallel_loop3A_34 to %parallel_loop3A_35 step %parallel_loop3A_36  : i32 {
      %parallel_loop3A_204 = arith.constant 16 : i32
      %parallel_loop3A_205 = arith.muli %parallel_loop3A_203, %parallel_loop3A_204 : i32
      %parallel_loop3A_206 = arith.index_cast %parallel_loop3A_205 : i32 to index
      %parallel_loop3A_207 = tpu.vector_load %arg5[%parallel_loop3A_206] {strides = array<i32>} : memref<16384xi32, #tpu.memory_space<vmem>>, vector<16xi32>,
      %parallel_loop3A_208 = arith.constant 6 : i32
      %parallel_loop3A_209 = vector.broadcast %parallel_loop3A_208 : i32 to vector<16xi32>
      %parallel_loop3A_210 = arith.shrui %parallel_loop3A_207, %parallel_loop3A_209 : vector<16xi32>
      %parallel_loop3A_211 = arith.constant 16 : i32
      %parallel_loop3A_212 = arith.muli %parallel_loop3A_203, %parallel_loop3A_211 : i32
      %parallel_loop3A_213 = vector.broadcast %parallel_loop3A_212 : i32 to vector<16xi32>
      %parallel_loop3A_214 = arith.addi %parallel_loop3A_213, %iota3A : vector<16xi32>
      %parallel_loop3A_215 = vector.broadcast %select_n3A : i32 to vector<16xi32>
      %parallel_loop3A_216 = arith.cmpi slt, %parallel_loop3A_214, %parallel_loop3A_215 : vector<16xi32>
      %parallel_loop3A_217, %parallel_loop3A_218 = tpu.scan_count mask(%parallel_loop3A_216 : vector<16xi1>) value(%parallel_loop3A_210 : vector<16xi32>) : vector<16xi1>, vector<16xi32>
      %parallel_loop3A_219 = arith.sitofp %parallel_loop3A_218 : vector<16xi32> to vector<16xf32>
      tpu.vector_store_idx %arg8[%parallel_loop3A_210], %parallel_loop3A_219 masked %parallel_loop3A_217 {add = true} : memref<32xf32, #tpu.memory_space<vmem>>[vector<16xi32>], vector<16xf32>, vector<16xi1>
    } {sc.loop_unroll_factor = 3 : i64, sc.parallel_access}
    "tpu.trace_stop"() : () -> ()
    "tpu.trace_start"() <{level = 10 : i32, message = "ph_merge"}> : () -> ()
    %barrier3A = arith.constant 0 : index
    tpu.barrier barrier_id(%barrier3A)
    "tpu.region"() ({
      %run_scoped3A = tpu.sem_alloc : memref<!tpu.dma_semaphore, #tpu.memory_space<semaphore_mem>>
      %dma_start3A = arith.constant 0 : i32
      %dma_start3A_203 = tpu.memref_slice %arg11[%dma_start3A] : memref<32xf32, #tpu.memory_space<vmem_shared>> -> memref<32xf32, #tpu.memory_space<vmem_shared>>
      tpu.enqueue_indirect_dma source(%arg8 : memref<32xf32, #tpu.memory_space<vmem>>) target(%dma_start3A_203 : memref<32xf32, #tpu.memory_space<vmem_shared>>) offsets(%arg9 : memref<32xi32, #tpu.memory_space<vmem>>) semaphore(%run_scoped3A : memref<!tpu.dma_semaphore, #tpu.memory_space<semaphore_mem>>) {add = true}
      %dma_wait3A = arith.constant 0 : i32
      %dma_wait3A_204 = tpu.memref_slice %arg11[%dma_wait3A] : memref<32xf32, #tpu.memory_space<vmem_shared>> -> memref<32xf32, #tpu.memory_space<vmem_shared>>
      tpu.wait_indirect_dma semaphore(%run_scoped3A : memref<!tpu.dma_semaphore, #tpu.memory_space<semaphore_mem>>) src(%arg8 : memref<32xf32, #tpu.memory_space<vmem>>) dst(%dma_wait3A_204 : memref<32xf32, #tpu.memory_space<vmem_shared>>)
      tpu.yield
    }) : () -> ()
    %barrier3A_37 = arith.constant 0 : index
    tpu.barrier barrier_id(%barrier3A_37)
    "tpu.region"() ({
      %run_scoped3A = tpu.sem_alloc : memref<!tpu.dma_semaphore, #tpu.memory_space<semaphore_mem>>
      tpu.enqueue_dma source(%arg11 : memref<32xf32, #tpu.memory_space<vmem_shared>>) target(%arg10 : memref<32xf32, #tpu.memory_space<vmem>>) target_semaphore(%run_scoped3A : memref<!tpu.dma_semaphore, #tpu.memory_space<semaphore_mem>>)
      tpu.wait_dma2 semaphore(%run_scoped3A : memref<!tpu.dma_semaphore, #tpu.memory_space<semaphore_mem>>) src(%arg11 : memref<32xf32, #tpu.memory_space<vmem_shared>>) dst(%arg10 : memref<32xf32, #tpu.memory_space<vmem>>)
      tpu.yield
    }) : () -> ()
    "tpu.trace_stop"() : () -> ()
    "tpu.trace_start"() <{level = 10 : i32, message = "ph_C"}> : () -> ()
    %add3A_38 = arith.constant 0 : i32
    %add3A_39 = arith.addi %arg1, %add3A_38 : i32
    %get3A = arith.constant 0 : index
    %get3A_40 = tpu.vector_load %arg10[%get3A] {strides = array<i32>} : memref<32xf32, #tpu.memory_space<vmem>>, vector<16xf32>,
    %convert_element_type3A_41 = arith.fptosi %get3A_40 : vector<16xf32> to vector<16xi32>
    %add3A_42 = arith.constant 0 : i32
    %add3A_43 = vector.broadcast %add3A_42 : i32 to vector<16xi32>
    %add3A_44 = arith.addi %iota3A, %add3A_43 : vector<16xi32>
    %lt3A = vector.broadcast %add3A_39 : i32 to vector<16xi32>
    %lt3A_45 = arith.cmpi slt, %add3A_44, %lt3A : vector<16xi32>
    %jit3A_46 = arith.constant 0 : i32
    %broadcast_in_dim3A_47 = vector.broadcast %jit3A_46 : i32 to vector<16xi32>
    %select_n3A_48 = arith.select %lt3A_45, %convert_element_type3A_41, %broadcast_in_dim3A_47 : vector<16xi1>, vector<16xi32>
    %reduce_sum3A = arith.constant true
    %reduce_sum3A_49 = vector.broadcast %reduce_sum3A : i1 to vector<16xi1>
    %reduce_sum3A_50 = tpu.scan <sum>, %select_n3A_48 masked %reduce_sum3A_49 : vector<16xi32>, vector<16xi1> -> vector<16xi32>
    %reduce_sum3A_51 = vector.extract %reduce_sum3A_50[15] : i32 from vector<16xi32>
    %add3A_52 = arith.constant 0 : i32
    %add3A_53 = arith.addi %add3A_52, %reduce_sum3A_51 : i32
    %eq3A_54 = vector.broadcast %add3A_39 : i32 to vector<16xi32>
    %eq3A_55 = arith.cmpi eq, %add3A_44, %eq3A_54 : vector<16xi32>
    %jit3A_56 = arith.constant 0 : i32
    %broadcast_in_dim3A_57 = vector.broadcast %jit3A_56 : i32 to vector<16xi32>
    %select_n3A_58 = arith.select %eq3A_55, %convert_element_type3A_41, %broadcast_in_dim3A_57 : vector<16xi1>, vector<16xi32>
    %reduce_sum3A_59 = arith.constant true
    %reduce_sum3A_60 = vector.broadcast %reduce_sum3A_59 : i1 to vector<16xi1>
    %reduce_sum3A_61 = tpu.scan <sum>, %select_n3A_58 masked %reduce_sum3A_60 : vector<16xi32>, vector<16xi1> -> vector<16xi32>
    %reduce_sum3A_62 = vector.extract %reduce_sum3A_61[15] : i32 from vector<16xi32>
    %add3A_63 = arith.constant 0 : i32
    %add3A_64 = arith.addi %add3A_63, %reduce_sum3A_62 : i32
    %get3A_65 = arith.constant 16 : index
    %get3A_66 = tpu.vector_load %arg10[%get3A_65] {strides = array<i32>} : memref<32xf32, #tpu.memory_space<vmem>>, vector<16xf32>,
    %convert_element_type3A_67 = arith.fptosi %get3A_66 : vector<16xf32> to vector<16xi32>
    %add3A_68 = arith.constant 16 : i32
    %add3A_69 = vector.broadcast %add3A_68 : i32 to vector<16xi32>
    %add3A_70 = arith.addi %iota3A, %add3A_69 : vector<16xi32>
    %lt3A_71 = vector.broadcast %add3A_39 : i32 to vector<16xi32>
    %lt3A_72 = arith.cmpi slt, %add3A_70, %lt3A_71 : vector<16xi32>
    %jit3A_73 = arith.constant 0 : i32
    %broadcast_in_dim3A_74 = vector.broadcast %jit3A_73 : i32 to vector<16xi32>
    %select_n3A_75 = arith.select %lt3A_72, %convert_element_type3A_67, %broadcast_in_dim3A_74 : vector<16xi1>, vector<16xi32>
    %reduce_sum3A_76 = arith.constant true
    %reduce_sum3A_77 = vector.broadcast %reduce_sum3A_76 : i1 to vector<16xi1>
    %reduce_sum3A_78 = tpu.scan <sum>, %select_n3A_75 masked %reduce_sum3A_77 : vector<16xi32>, vector<16xi1> -> vector<16xi32>
    %reduce_sum3A_79 = vector.extract %reduce_sum3A_78[15] : i32 from vector<16xi32>
    %add3A_80 = arith.addi %add3A_53, %reduce_sum3A_79 : i32
    %eq3A_81 = vector.broadcast %add3A_39 : i32 to vector<16xi32>
    %eq3A_82 = arith.cmpi eq, %add3A_70, %eq3A_81 : vector<16xi32>
    %jit3A_83 = arith.constant 0 : i32
    %broadcast_in_dim3A_84 = vector.broadcast %jit3A_83 : i32 to vector<16xi32>
    %select_n3A_85 = arith.select %eq3A_82, %convert_element_type3A_67, %broadcast_in_dim3A_84 : vector<16xi1>, vector<16xi32>
    %reduce_sum3A_86 = arith.constant true
    %reduce_sum3A_87 = vector.broadcast %reduce_sum3A_86 : i1 to vector<16xi1>
    %reduce_sum3A_88 = tpu.scan <sum>, %select_n3A_85 masked %reduce_sum3A_87 : vector<16xi32>, vector<16xi1> -> vector<16xi32>
    %reduce_sum3A_89 = vector.extract %reduce_sum3A_88[15] : i32 from vector<16xi32>
    %add3A_90 = arith.addi %add3A_64, %reduce_sum3A_89 : i32
    %add3A_91 = arith.addi %mul3A_0, %add3A_80 : i32
    %shift_right_logical3A = arith.constant 14 : i32
    %shift_right_logical3A_92 = arith.shrui %add3A_91, %shift_right_logical3A : i32
    %add3A_93 = arith.addi %add3A_91, %add3A_90 : i32
    %sub3A = arith.constant 1 : i32
    %sub3A_94 = arith.subi %add3A_93, %sub3A : i32
    %shift_right_logical3A_95 = arith.constant 14 : i32
    %shift_right_logical3A_96 = arith.shrui %sub3A_94, %shift_right_logical3A_95 : i32
    %gt3A = arith.constant 0 : i32
    %gt3A_97 = arith.cmpi sgt, %add3A_90, %gt3A : i32
    %sub3A_98 = arith.subi %shift_right_logical3A_96, %shift_right_logical3A_92 : i32
    %add3A_99 = arith.constant 1 : i32
    %add3A_100 = arith.addi %sub3A_98, %add3A_99 : i32
    %jit3A_101 = arith.constant 0 : i32
    %select_n3A_102 = arith.select %gt3A_97, %add3A_100, %jit3A_101 : i32
    %mul3A_103 = arith.constant 64 : i32
    %mul3A_104 = arith.muli %add3A_39, %mul3A_103 : i32
    %while3A = arith.constant 0 : i32
    %while3A_105 = arith.subi %select_n3A_102, %while3A : i32
    %while3A_106 = arith.addi %while3A, %while3A_105 : i32
    %while3A_107 = arith.constant 1 : i32
    %while3A_108 = arith.divsi %while3A_105, %while3A_107 : i32
    %while3A_109 = arith.muli %while3A_108, %while3A_107 : i32
    %while3A_110 = arith.addi %while3A, %while3A_109 : i32
    %while3A_111 = arith.constant 1 : i32
    scf.for %while3A_203 = %while3A to %while3A_110 step %while3A_111  : i32 {
      %add3A_204 = arith.addi %shift_right_logical3A_92, %while3A_203 : i32
      %mul3A_205 = arith.constant 16384 : i32
      %mul3A_206 = arith.muli %add3A_204, %mul3A_205 : i32
      %min3A = arith.constant 483616 : i32
      %min3A_207 = arith.minsi %mul3A_206, %min3A : i32
      %dma_start3A = tpu.memref_slice %arg2[%min3A_207] : memref<500000xi32, #tpu.memory_space<hbm>> -> memref<16384xi32, #tpu.memory_space<hbm>>
      %dma_start3A_208 = tpu.memref_slice %arg2[%min3A_207] : memref<500000xi32, #tpu.memory_space<hbm>> -> memref<16384xi32, #tpu.memory_space<hbm>>
      tpu.enqueue_dma source(%dma_start3A_208 : memref<16384xi32, #tpu.memory_space<hbm>>) target(%arg6 : memref<16384xi32, #tpu.memory_space<vmem>>) target_semaphore(%arg12 : memref<!tpu.dma_semaphore, #tpu.memory_space<semaphore_mem>>)
      %dma_start3A_209 = tpu.memref_slice %arg3[%min3A_207] : memref<500000xi32, #tpu.memory_space<hbm>> -> memref<16384xi32, #tpu.memory_space<hbm>>
      %dma_start3A_210 = tpu.memref_slice %arg3[%min3A_207] : memref<500000xi32, #tpu.memory_space<hbm>> -> memref<16384xi32, #tpu.memory_space<hbm>>
      tpu.enqueue_dma source(%dma_start3A_210 : memref<16384xi32, #tpu.memory_space<hbm>>) target(%arg5 : memref<16384xi32, #tpu.memory_space<vmem>>) target_semaphore(%arg13 : memref<!tpu.dma_semaphore, #tpu.memory_space<semaphore_mem>>)
      %dma_wait3A = tpu.memref_slice %arg2[%min3A_207] : memref<500000xi32, #tpu.memory_space<hbm>> -> memref<16384xi32, #tpu.memory_space<hbm>>
      %dma_wait3A_211 = tpu.memref_slice %arg2[%min3A_207] : memref<500000xi32, #tpu.memory_space<hbm>> -> memref<16384xi32, #tpu.memory_space<hbm>>
      tpu.wait_dma2 semaphore(%arg12 : memref<!tpu.dma_semaphore, #tpu.memory_space<semaphore_mem>>) src(%dma_wait3A_211 : memref<16384xi32, #tpu.memory_space<hbm>>) dst(%arg6 : memref<16384xi32, #tpu.memory_space<vmem>>)
      %dma_wait3A_212 = tpu.memref_slice %arg3[%min3A_207] : memref<500000xi32, #tpu.memory_space<hbm>> -> memref<16384xi32, #tpu.memory_space<hbm>>
      %dma_wait3A_213 = tpu.memref_slice %arg3[%min3A_207] : memref<500000xi32, #tpu.memory_space<hbm>> -> memref<16384xi32, #tpu.memory_space<hbm>>
      tpu.wait_dma2 semaphore(%arg13 : memref<!tpu.dma_semaphore, #tpu.memory_space<semaphore_mem>>) src(%dma_wait3A_213 : memref<16384xi32, #tpu.memory_space<hbm>>) dst(%arg5 : memref<16384xi32, #tpu.memory_space<vmem>>)
      %mul3A_214 = arith.constant 16384 : i32
      %mul3A_215 = arith.muli %add3A_204, %mul3A_214 : i32
      %max3A = arith.maxsi %mul3A_215, %add3A_91 : i32
      %add3A_216 = arith.constant 1 : i32
      %add3A_217 = arith.addi %add3A_204, %add3A_216 : i32
      %mul3A_218 = arith.constant 16384 : i32
      %mul3A_219 = arith.muli %add3A_217, %mul3A_218 : i32
      %add3A_220 = arith.addi %add3A_91, %add3A_90 : i32
      %min3A_221 = arith.minsi %mul3A_219, %add3A_220 : i32
      %sub3A_222 = arith.subi %max3A, %min3A_207 : i32
      %shift_right_logical3A_223 = arith.constant 4 : i32
      %shift_right_logical3A_224 = arith.shrui %sub3A_222, %shift_right_logical3A_223 : i32
      %sub3A_225 = arith.subi %min3A_221, %min3A_207 : i32
      %add3A_226 = arith.constant 15 : i32
      %add3A_227 = arith.addi %sub3A_225, %add3A_226 : i32
      %shift_right_logical3A_228 = arith.constant 4 : i32
      %shift_right_logical3A_229 = arith.shrui %add3A_227, %shift_right_logical3A_228 : i32
      %parallel_loop3A_230 = arith.constant 1 : i32
      scf.for %parallel_loop3A_231 = %shift_right_logical3A_224 to %shift_right_logical3A_229 step %parallel_loop3A_230  : i32 {
        %parallel_loop3A_232 = arith.constant 16 : i32
        %parallel_loop3A_233 = arith.muli %parallel_loop3A_231, %parallel_loop3A_232 : i32
        %parallel_loop3A_234 = arith.index_cast %parallel_loop3A_233 : i32 to index
        %parallel_loop3A_235 = tpu.vector_load %arg5[%parallel_loop3A_234] {strides = array<i32>} : memref<16384xi32, #tpu.memory_space<vmem>>, vector<16xi32>,
        %parallel_loop3A_236 = arith.constant 16 : i32
        %parallel_loop3A_237 = arith.muli %parallel_loop3A_231, %parallel_loop3A_236 : i32
        %parallel_loop3A_238 = arith.index_cast %parallel_loop3A_237 : i32 to index
        %parallel_loop3A_239 = tpu.vector_load %arg6[%parallel_loop3A_238] {strides = array<i32>} : memref<16384xi32, #tpu.memory_space<vmem>>, vector<16xi32>,
        %parallel_loop3A_240 = vector.broadcast %mul3A_104 : i32 to vector<16xi32>
        %parallel_loop3A_241 = arith.subi %parallel_loop3A_235, %parallel_loop3A_240 : vector<16xi32>
        %parallel_loop3A_242 = arith.constant 128 : i32
        %parallel_loop3A_243 = vector.broadcast %parallel_loop3A_242 : i32 to vector<16xi32>
        %parallel_loop3A_244 = arith.muli %parallel_loop3A_241, %parallel_loop3A_243 : vector<16xi32>
        %parallel_loop3A_245 = arith.addi %parallel_loop3A_244, %parallel_loop3A_239 : vector<16xi32>
        %parallel_loop3A_246 = arith.constant 0 : i32
        %parallel_loop3A_247 = vector.broadcast %parallel_loop3A_246 : i32 to vector<16xi32>
        %parallel_loop3A_248 = arith.addi %parallel_loop3A_245, %parallel_loop3A_247 : vector<16xi32>
        %parallel_loop3A_249 = arith.constant 16 : i32
        %parallel_loop3A_250 = arith.muli %parallel_loop3A_231, %parallel_loop3A_249 : i32
        %parallel_loop3A_251 = arith.addi %min3A_207, %parallel_loop3A_250 : i32
        %parallel_loop3A_252 = vector.broadcast %parallel_loop3A_251 : i32 to vector<16xi32>
        %parallel_loop3A_253 = arith.addi %parallel_loop3A_252, %iota3A : vector<16xi32>
        %parallel_loop3A_254 = vector.broadcast %max3A : i32 to vector<16xi32>
        %parallel_loop3A_255 = arith.cmpi sge, %parallel_loop3A_253, %parallel_loop3A_254 : vector<16xi32>
        %parallel_loop3A_256 = vector.broadcast %min3A_221 : i32 to vector<16xi32>
        %parallel_loop3A_257 = arith.cmpi slt, %parallel_loop3A_253, %parallel_loop3A_256 : vector<16xi32>
        %parallel_loop3A_258 = arith.andi %parallel_loop3A_255, %parallel_loop3A_257 : vector<16xi1>
        %parallel_loop3A_259, %parallel_loop3A_260 = tpu.scan_count mask(%parallel_loop3A_258 : vector<16xi1>) value(%parallel_loop3A_248 : vector<16xi32>) : vector<16xi1>, vector<16xi32>
        %parallel_loop3A_261 = arith.constant 7 : i32
        %parallel_loop3A_262 = vector.broadcast %parallel_loop3A_261 : i32 to vector<16xi32>
        %parallel_loop3A_263 = arith.shrui %parallel_loop3A_248, %parallel_loop3A_262 : vector<16xi32>
        %parallel_loop3A_264 = arith.constant 127 : i32
        %parallel_loop3A_265 = vector.broadcast %parallel_loop3A_264 : i32 to vector<16xi32>
        %parallel_loop3A_266 = arith.andi %parallel_loop3A_248, %parallel_loop3A_265 : vector<16xi32>
        %parallel_loop3A_267 = arith.sitofp %parallel_loop3A_260 : vector<16xi32> to vector<16xf32>
        tpu.vector_store_idx %arg7[%parallel_loop3A_263, %parallel_loop3A_266], %parallel_loop3A_267 masked %parallel_loop3A_259 {add = true} : memref<128x128xf32, #tpu.memory_space<vmem>>[vector<16xi32>, vector<16xi32>], vector<16xf32>, vector<16xi1>
      } {sc.loop_unroll_factor = 3 : i64, sc.parallel_access}
    }
    %while3A_112 = arith.constant 1 : i32
    scf.for %while3A_203 = %while3A_110 to %while3A_106 step %while3A_112  : i32 {
      %add3A_204 = arith.addi %shift_right_logical3A_92, %while3A_203 : i32
      %mul3A_205 = arith.constant 16384 : i32
      %mul3A_206 = arith.muli %add3A_204, %mul3A_205 : i32
      %min3A = arith.constant 483616 : i32
      %min3A_207 = arith.minsi %mul3A_206, %min3A : i32
      %dma_start3A = tpu.memref_slice %arg2[%min3A_207] : memref<500000xi32, #tpu.memory_space<hbm>> -> memref<16384xi32, #tpu.memory_space<hbm>>
      %dma_start3A_208 = tpu.memref_slice %arg2[%min3A_207] : memref<500000xi32, #tpu.memory_space<hbm>> -> memref<16384xi32, #tpu.memory_space<hbm>>
      tpu.enqueue_dma source(%dma_start3A_208 : memref<16384xi32, #tpu.memory_space<hbm>>) target(%arg6 : memref<16384xi32, #tpu.memory_space<vmem>>) target_semaphore(%arg12 : memref<!tpu.dma_semaphore, #tpu.memory_space<semaphore_mem>>)
      %dma_start3A_209 = tpu.memref_slice %arg3[%min3A_207] : memref<500000xi32, #tpu.memory_space<hbm>> -> memref<16384xi32, #tpu.memory_space<hbm>>
      %dma_start3A_210 = tpu.memref_slice %arg3[%min3A_207] : memref<500000xi32, #tpu.memory_space<hbm>> -> memref<16384xi32, #tpu.memory_space<hbm>>
      tpu.enqueue_dma source(%dma_start3A_210 : memref<16384xi32, #tpu.memory_space<hbm>>) target(%arg5 : memref<16384xi32, #tpu.memory_space<vmem>>) target_semaphore(%arg13 : memref<!tpu.dma_semaphore, #tpu.memory_space<semaphore_mem>>)
      %dma_wait3A = tpu.memref_slice %arg2[%min3A_207] : memref<500000xi32, #tpu.memory_space<hbm>> -> memref<16384xi32, #tpu.memory_space<hbm>>
      %dma_wait3A_211 = tpu.memref_slice %arg2[%min3A_207] : memref<500000xi32, #tpu.memory_space<hbm>> -> memref<16384xi32, #tpu.memory_space<hbm>>
      tpu.wait_dma2 semaphore(%arg12 : memref<!tpu.dma_semaphore, #tpu.memory_space<semaphore_mem>>) src(%dma_wait3A_211 : memref<16384xi32, #tpu.memory_space<hbm>>) dst(%arg6 : memref<16384xi32, #tpu.memory_space<vmem>>)
      %dma_wait3A_212 = tpu.memref_slice %arg3[%min3A_207] : memref<500000xi32, #tpu.memory_space<hbm>> -> memref<16384xi32, #tpu.memory_space<hbm>>
      %dma_wait3A_213 = tpu.memref_slice %arg3[%min3A_207] : memref<500000xi32, #tpu.memory_space<hbm>> -> memref<16384xi32, #tpu.memory_space<hbm>>
      tpu.wait_dma2 semaphore(%arg13 : memref<!tpu.dma_semaphore, #tpu.memory_space<semaphore_mem>>) src(%dma_wait3A_213 : memref<16384xi32, #tpu.memory_space<hbm>>) dst(%arg5 : memref<16384xi32, #tpu.memory_space<vmem>>)
      %mul3A_214 = arith.constant 16384 : i32
      %mul3A_215 = arith.muli %add3A_204, %mul3A_214 : i32
      %max3A = arith.maxsi %mul3A_215, %add3A_91 : i32
      %add3A_216 = arith.constant 1 : i32
      %add3A_217 = arith.addi %add3A_204, %add3A_216 : i32
      %mul3A_218 = arith.constant 16384 : i32
      %mul3A_219 = arith.muli %add3A_217, %mul3A_218 : i32
      %add3A_220 = arith.addi %add3A_91, %add3A_90 : i32
      %min3A_221 = arith.minsi %mul3A_219, %add3A_220 : i32
      %sub3A_222 = arith.subi %max3A, %min3A_207 : i32
      %shift_right_logical3A_223 = arith.constant 4 : i32
      %shift_right_logical3A_224 = arith.shrui %sub3A_222, %shift_right_logical3A_223 : i32
      %sub3A_225 = arith.subi %min3A_221, %min3A_207 : i32
      %add3A_226 = arith.constant 15 : i32
      %add3A_227 = arith.addi %sub3A_225, %add3A_226 : i32
      %shift_right_logical3A_228 = arith.constant 4 : i32
      %shift_right_logical3A_229 = arith.shrui %add3A_227, %shift_right_logical3A_228 : i32
      %parallel_loop3A_230 = arith.constant 1 : i32
      scf.for %parallel_loop3A_231 = %shift_right_logical3A_224 to %shift_right_logical3A_229 step %parallel_loop3A_230  : i32 {
        %parallel_loop3A_232 = arith.constant 16 : i32
        %parallel_loop3A_233 = arith.muli %parallel_loop3A_231, %parallel_loop3A_232 : i32
        %parallel_loop3A_234 = arith.index_cast %parallel_loop3A_233 : i32 to index
        %parallel_loop3A_235 = tpu.vector_load %arg5[%parallel_loop3A_234] {strides = array<i32>} : memref<16384xi32, #tpu.memory_space<vmem>>, vector<16xi32>,
        %parallel_loop3A_236 = arith.constant 16 : i32
        %parallel_loop3A_237 = arith.muli %parallel_loop3A_231, %parallel_loop3A_236 : i32
        %parallel_loop3A_238 = arith.index_cast %parallel_loop3A_237 : i32 to index
        %parallel_loop3A_239 = tpu.vector_load %arg6[%parallel_loop3A_238] {strides = array<i32>} : memref<16384xi32, #tpu.memory_space<vmem>>, vector<16xi32>,
        %parallel_loop3A_240 = vector.broadcast %mul3A_104 : i32 to vector<16xi32>
        %parallel_loop3A_241 = arith.subi %parallel_loop3A_235, %parallel_loop3A_240 : vector<16xi32>
        %parallel_loop3A_242 = arith.constant 128 : i32
        %parallel_loop3A_243 = vector.broadcast %parallel_loop3A_242 : i32 to vector<16xi32>
        %parallel_loop3A_244 = arith.muli %parallel_loop3A_241, %parallel_loop3A_243 : vector<16xi32>
        %parallel_loop3A_245 = arith.addi %parallel_loop3A_244, %parallel_loop3A_239 : vector<16xi32>
        %parallel_loop3A_246 = arith.constant 0 : i32
        %parallel_loop3A_247 = vector.broadcast %parallel_loop3A_246 : i32 to vector<16xi32>
        %parallel_loop3A_248 = arith.addi %parallel_loop3A_245, %parallel_loop3A_247 : vector<16xi32>
        %parallel_loop3A_249 = arith.constant 16 : i32
        %parallel_loop3A_250 = arith.muli %parallel_loop3A_231, %parallel_loop3A_249 : i32
        %parallel_loop3A_251 = arith.addi %min3A_207, %parallel_loop3A_250 : i32
        %parallel_loop3A_252 = vector.broadcast %parallel_loop3A_251 : i32 to vector<16xi32>
        %parallel_loop3A_253 = arith.addi %parallel_loop3A_252, %iota3A : vector<16xi32>
        %parallel_loop3A_254 = vector.broadcast %max3A : i32 to vector<16xi32>
        %parallel_loop3A_255 = arith.cmpi sge, %parallel_loop3A_253, %parallel_loop3A_254 : vector<16xi32>
        %parallel_loop3A_256 = vector.broadcast %min3A_221 : i32 to vector<16xi32>
        %parallel_loop3A_257 = arith.cmpi slt, %parallel_loop3A_253, %parallel_loop3A_256 : vector<16xi32>
        %parallel_loop3A_258 = arith.andi %parallel_loop3A_255, %parallel_loop3A_257 : vector<16xi1>
        %parallel_loop3A_259, %parallel_loop3A_260 = tpu.scan_count mask(%parallel_loop3A_258 : vector<16xi1>) value(%parallel_loop3A_248 : vector<16xi32>) : vector<16xi1>, vector<16xi32>
        %parallel_loop3A_261 = arith.constant 7 : i32
        %parallel_loop3A_262 = vector.broadcast %parallel_loop3A_261 : i32 to vector<16xi32>
        %parallel_loop3A_263 = arith.shrui %parallel_loop3A_248, %parallel_loop3A_262 : vector<16xi32>
        %parallel_loop3A_264 = arith.constant 127 : i32
        %parallel_loop3A_265 = vector.broadcast %parallel_loop3A_264 : i32 to vector<16xi32>
        %parallel_loop3A_266 = arith.andi %parallel_loop3A_248, %parallel_loop3A_265 : vector<16xi32>
        %parallel_loop3A_267 = arith.sitofp %parallel_loop3A_260 : vector<16xi32> to vector<16xf32>
        tpu.vector_store_idx %arg7[%parallel_loop3A_263, %parallel_loop3A_266], %parallel_loop3A_267 masked %parallel_loop3A_259 {add = true} : memref<128x128xf32, #tpu.memory_space<vmem>>[vector<16xi32>, vector<16xi32>], vector<16xf32>, vector<16xi1>
      } {sc.loop_unroll_factor = 3 : i64, sc.parallel_access}
    }
    %add3A_113 = arith.constant 16 : i32
    %add3A_114 = arith.addi %arg1, %add3A_113 : i32
    %get3A_115 = arith.constant 0 : index
    %get3A_116 = tpu.vector_load %arg10[%get3A_115] {strides = array<i32>} : memref<32xf32, #tpu.memory_space<vmem>>, vector<16xf32>,
    %convert_element_type3A_117 = arith.fptosi %get3A_116 : vector<16xf32> to vector<16xi32>
    %add3A_118 = arith.constant 0 : i32
    %add3A_119 = vector.broadcast %add3A_118 : i32 to vector<16xi32>
    %add3A_120 = arith.addi %iota3A, %add3A_119 : vector<16xi32>
    %lt3A_121 = vector.broadcast %add3A_114 : i32 to vector<16xi32>
    %lt3A_122 = arith.cmpi slt, %add3A_120, %lt3A_121 : vector<16xi32>
    %jit3A_123 = arith.constant 0 : i32
    %broadcast_in_dim3A_124 = vector.broadcast %jit3A_123 : i32 to vector<16xi32>
    %select_n3A_125 = arith.select %lt3A_122, %convert_element_type3A_117, %broadcast_in_dim3A_124 : vector<16xi1>, vector<16xi32>
    %reduce_sum3A_126 = arith.constant true
    %reduce_sum3A_127 = vector.broadcast %reduce_sum3A_126 : i1 to vector<16xi1>
    %reduce_sum3A_128 = tpu.scan <sum>, %select_n3A_125 masked %reduce_sum3A_127 : vector<16xi32>, vector<16xi1> -> vector<16xi32>
    %reduce_sum3A_129 = vector.extract %reduce_sum3A_128[15] : i32 from vector<16xi32>
    %add3A_130 = arith.constant 0 : i32
    %add3A_131 = arith.addi %add3A_130, %reduce_sum3A_129 : i32
    %eq3A_132 = vector.broadcast %add3A_114 : i32 to vector<16xi32>
    %eq3A_133 = arith.cmpi eq, %add3A_120, %eq3A_132 : vector<16xi32>
    %jit3A_134 = arith.constant 0 : i32
    %broadcast_in_dim3A_135 = vector.broadcast %jit3A_134 : i32 to vector<16xi32>
    %select_n3A_136 = arith.select %eq3A_133, %convert_element_type3A_117, %broadcast_in_dim3A_135 : vector<16xi1>, vector<16xi32>
    %reduce_sum3A_137 = arith.constant true
    %reduce_sum3A_138 = vector.broadcast %reduce_sum3A_137 : i1 to vector<16xi1>
    %reduce_sum3A_139 = tpu.scan <sum>, %select_n3A_136 masked %reduce_sum3A_138 : vector<16xi32>, vector<16xi1> -> vector<16xi32>
    %reduce_sum3A_140 = vector.extract %reduce_sum3A_139[15] : i32 from vector<16xi32>
    %add3A_141 = arith.constant 0 : i32
    %add3A_142 = arith.addi %add3A_141, %reduce_sum3A_140 : i32
    %get3A_143 = arith.constant 16 : index
    %get3A_144 = tpu.vector_load %arg10[%get3A_143] {strides = array<i32>} : memref<32xf32, #tpu.memory_space<vmem>>, vector<16xf32>,
    %convert_element_type3A_145 = arith.fptosi %get3A_144 : vector<16xf32> to vector<16xi32>
    %add3A_146 = arith.constant 16 : i32
    %add3A_147 = vector.broadcast %add3A_146 : i32 to vector<16xi32>
    %add3A_148 = arith.addi %iota3A, %add3A_147 : vector<16xi32>
    %lt3A_149 = vector.broadcast %add3A_114 : i32 to vector<16xi32>
    %lt3A_150 = arith.cmpi slt, %add3A_148, %lt3A_149 : vector<16xi32>
    %jit3A_151 = arith.constant 0 : i32
    %broadcast_in_dim3A_152 = vector.broadcast %jit3A_151 : i32 to vector<16xi32>
    %select_n3A_153 = arith.select %lt3A_150, %convert_element_type3A_145, %broadcast_in_dim3A_152 : vector<16xi1>, vector<16xi32>
    %reduce_sum3A_154 = arith.constant true
    %reduce_sum3A_155 = vector.broadcast %reduce_sum3A_154 : i1 to vector<16xi1>
    %reduce_sum3A_156 = tpu.scan <sum>, %select_n3A_153 masked %reduce_sum3A_155 : vector<16xi32>, vector<16xi1> -> vector<16xi32>
    %reduce_sum3A_157 = vector.extract %reduce_sum3A_156[15] : i32 from vector<16xi32>
    %add3A_158 = arith.addi %add3A_131, %reduce_sum3A_157 : i32
    %eq3A_159 = vector.broadcast %add3A_114 : i32 to vector<16xi32>
    %eq3A_160 = arith.cmpi eq, %add3A_148, %eq3A_159 : vector<16xi32>
    %jit3A_161 = arith.constant 0 : i32
    %broadcast_in_dim3A_162 = vector.broadcast %jit3A_161 : i32 to vector<16xi32>
    %select_n3A_163 = arith.select %eq3A_160, %convert_element_type3A_145, %broadcast_in_dim3A_162 : vector<16xi1>, vector<16xi32>
    %reduce_sum3A_164 = arith.constant true
    %reduce_sum3A_165 = vector.broadcast %reduce_sum3A_164 : i1 to vector<16xi1>
    %reduce_sum3A_166 = tpu.scan <sum>, %select_n3A_163 masked %reduce_sum3A_165 : vector<16xi32>, vector<16xi1> -> vector<16xi32>
    %reduce_sum3A_167 = vector.extract %reduce_sum3A_166[15] : i32 from vector<16xi32>
    %add3A_168 = arith.addi %add3A_142, %reduce_sum3A_167 : i32
    %add3A_169 = arith.addi %mul3A_0, %add3A_158 : i32
    %shift_right_logical3A_170 = arith.constant 14 : i32
    %shift_right_logical3A_171 = arith.shrui %add3A_169, %shift_right_logical3A_170 : i32
    %add3A_172 = arith.addi %add3A_169, %add3A_168 : i32
    %sub3A_173 = arith.constant 1 : i32
    %sub3A_174 = arith.subi %add3A_172, %sub3A_173 : i32
    %shift_right_logical3A_175 = arith.constant 14 : i32
    %shift_right_logical3A_176 = arith.shrui %sub3A_174, %shift_right_logical3A_175 : i32
    %gt3A_177 = arith.constant 0 : i32
    %gt3A_178 = arith.cmpi sgt, %add3A_168, %gt3A_177 : i32
    %sub3A_179 = arith.subi %shift_right_logical3A_176, %shift_right_logical3A_171 : i32
    %add3A_180 = arith.constant 1 : i32
    %add3A_181 = arith.addi %sub3A_179, %add3A_180 : i32
    %jit3A_182 = arith.constant 0 : i32
    %select_n3A_183 = arith.select %gt3A_178, %add3A_181, %jit3A_182 : i32
    %mul3A_184 = arith.constant 64 : i32
    %mul3A_185 = arith.muli %add3A_114, %mul3A_184 : i32
    %while3A_186 = arith.constant 0 : i32
    %while3A_187 = arith.subi %select_n3A_183, %while3A_186 : i32
    %while3A_188 = arith.addi %while3A_186, %while3A_187 : i32
    %while3A_189 = arith.constant 1 : i32
    %while3A_190 = arith.divsi %while3A_187, %while3A_189 : i32
    %while3A_191 = arith.muli %while3A_190, %while3A_189 : i32
    %while3A_192 = arith.addi %while3A_186, %while3A_191 : i32
    %while3A_193 = arith.constant 1 : i32
    scf.for %while3A_203 = %while3A_186 to %while3A_192 step %while3A_193  : i32 {
      %add3A_204 = arith.addi %shift_right_logical3A_171, %while3A_203 : i32
      %mul3A_205 = arith.constant 16384 : i32
      %mul3A_206 = arith.muli %add3A_204, %mul3A_205 : i32
      %min3A = arith.constant 483616 : i32
      %min3A_207 = arith.minsi %mul3A_206, %min3A : i32
      %dma_start3A = tpu.memref_slice %arg2[%min3A_207] : memref<500000xi32, #tpu.memory_space<hbm>> -> memref<16384xi32, #tpu.memory_space<hbm>>
      %dma_start3A_208 = tpu.memref_slice %arg2[%min3A_207] : memref<500000xi32, #tpu.memory_space<hbm>> -> memref<16384xi32, #tpu.memory_space<hbm>>
      tpu.enqueue_dma source(%dma_start3A_208 : memref<16384xi32, #tpu.memory_space<hbm>>) target(%arg6 : memref<16384xi32, #tpu.memory_space<vmem>>) target_semaphore(%arg12 : memref<!tpu.dma_semaphore, #tpu.memory_space<semaphore_mem>>)
      %dma_start3A_209 = tpu.memref_slice %arg3[%min3A_207] : memref<500000xi32, #tpu.memory_space<hbm>> -> memref<16384xi32, #tpu.memory_space<hbm>>
      %dma_start3A_210 = tpu.memref_slice %arg3[%min3A_207] : memref<500000xi32, #tpu.memory_space<hbm>> -> memref<16384xi32, #tpu.memory_space<hbm>>
      tpu.enqueue_dma source(%dma_start3A_210 : memref<16384xi32, #tpu.memory_space<hbm>>) target(%arg5 : memref<16384xi32, #tpu.memory_space<vmem>>) target_semaphore(%arg13 : memref<!tpu.dma_semaphore, #tpu.memory_space<semaphore_mem>>)
      %dma_wait3A = tpu.memref_slice %arg2[%min3A_207] : memref<500000xi32, #tpu.memory_space<hbm>> -> memref<16384xi32, #tpu.memory_space<hbm>>
      %dma_wait3A_211 = tpu.memref_slice %arg2[%min3A_207] : memref<500000xi32, #tpu.memory_space<hbm>> -> memref<16384xi32, #tpu.memory_space<hbm>>
      tpu.wait_dma2 semaphore(%arg12 : memref<!tpu.dma_semaphore, #tpu.memory_space<semaphore_mem>>) src(%dma_wait3A_211 : memref<16384xi32, #tpu.memory_space<hbm>>) dst(%arg6 : memref<16384xi32, #tpu.memory_space<vmem>>)
      %dma_wait3A_212 = tpu.memref_slice %arg3[%min3A_207] : memref<500000xi32, #tpu.memory_space<hbm>> -> memref<16384xi32, #tpu.memory_space<hbm>>
      %dma_wait3A_213 = tpu.memref_slice %arg3[%min3A_207] : memref<500000xi32, #tpu.memory_space<hbm>> -> memref<16384xi32, #tpu.memory_space<hbm>>
      tpu.wait_dma2 semaphore(%arg13 : memref<!tpu.dma_semaphore, #tpu.memory_space<semaphore_mem>>) src(%dma_wait3A_213 : memref<16384xi32, #tpu.memory_space<hbm>>) dst(%arg5 : memref<16384xi32, #tpu.memory_space<vmem>>)
      %mul3A_214 = arith.constant 16384 : i32
      %mul3A_215 = arith.muli %add3A_204, %mul3A_214 : i32
      %max3A = arith.maxsi %mul3A_215, %add3A_169 : i32
      %add3A_216 = arith.constant 1 : i32
      %add3A_217 = arith.addi %add3A_204, %add3A_216 : i32
      %mul3A_218 = arith.constant 16384 : i32
      %mul3A_219 = arith.muli %add3A_217, %mul3A_218 : i32
      %add3A_220 = arith.addi %add3A_169, %add3A_168 : i32
      %min3A_221 = arith.minsi %mul3A_219, %add3A_220 : i32
      %sub3A_222 = arith.subi %max3A, %min3A_207 : i32
      %shift_right_logical3A_223 = arith.constant 4 : i32
      %shift_right_logical3A_224 = arith.shrui %sub3A_222, %shift_right_logical3A_223 : i32
      %sub3A_225 = arith.subi %min3A_221, %min3A_207 : i32
      %add3A_226 = arith.constant 15 : i32
      %add3A_227 = arith.addi %sub3A_225, %add3A_226 : i32
      %shift_right_logical3A_228 = arith.constant 4 : i32
      %shift_right_logical3A_229 = arith.shrui %add3A_227, %shift_right_logical3A_228 : i32
      %parallel_loop3A_230 = arith.constant 1 : i32
      scf.for %parallel_loop3A_231 = %shift_right_logical3A_224 to %shift_right_logical3A_229 step %parallel_loop3A_230  : i32 {
        %parallel_loop3A_232 = arith.constant 16 : i32
        %parallel_loop3A_233 = arith.muli %parallel_loop3A_231, %parallel_loop3A_232 : i32
        %parallel_loop3A_234 = arith.index_cast %parallel_loop3A_233 : i32 to index
        %parallel_loop3A_235 = tpu.vector_load %arg5[%parallel_loop3A_234] {strides = array<i32>} : memref<16384xi32, #tpu.memory_space<vmem>>, vector<16xi32>,
        %parallel_loop3A_236 = arith.constant 16 : i32
        %parallel_loop3A_237 = arith.muli %parallel_loop3A_231, %parallel_loop3A_236 : i32
        %parallel_loop3A_238 = arith.index_cast %parallel_loop3A_237 : i32 to index
        %parallel_loop3A_239 = tpu.vector_load %arg6[%parallel_loop3A_238] {strides = array<i32>} : memref<16384xi32, #tpu.memory_space<vmem>>, vector<16xi32>,
        %parallel_loop3A_240 = vector.broadcast %mul3A_185 : i32 to vector<16xi32>
        %parallel_loop3A_241 = arith.subi %parallel_loop3A_235, %parallel_loop3A_240 : vector<16xi32>
        %parallel_loop3A_242 = arith.constant 128 : i32
        %parallel_loop3A_243 = vector.broadcast %parallel_loop3A_242 : i32 to vector<16xi32>
        %parallel_loop3A_244 = arith.muli %parallel_loop3A_241, %parallel_loop3A_243 : vector<16xi32>
        %parallel_loop3A_245 = arith.addi %parallel_loop3A_244, %parallel_loop3A_239 : vector<16xi32>
        %parallel_loop3A_246 = arith.constant 8192 : i32
        %parallel_loop3A_247 = vector.broadcast %parallel_loop3A_246 : i32 to vector<16xi32>
        %parallel_loop3A_248 = arith.addi %parallel_loop3A_245, %parallel_loop3A_247 : vector<16xi32>
        %parallel_loop3A_249 = arith.constant 16 : i32
        %parallel_loop3A_250 = arith.muli %parallel_loop3A_231, %parallel_loop3A_249 : i32
        %parallel_loop3A_251 = arith.addi %min3A_207, %parallel_loop3A_250 : i32
        %parallel_loop3A_252 = vector.broadcast %parallel_loop3A_251 : i32 to vector<16xi32>
        %parallel_loop3A_253 = arith.addi %parallel_loop3A_252, %iota3A : vector<16xi32>
        %parallel_loop3A_254 = vector.broadcast %max3A : i32 to vector<16xi32>
        %parallel_loop3A_255 = arith.cmpi sge, %parallel_loop3A_253, %parallel_loop3A_254 : vector<16xi32>
        %parallel_loop3A_256 = vector.broadcast %min3A_221 : i32 to vector<16xi32>
        %parallel_loop3A_257 = arith.cmpi slt, %parallel_loop3A_253, %parallel_loop3A_256 : vector<16xi32>
        %parallel_loop3A_258 = arith.andi %parallel_loop3A_255, %parallel_loop3A_257 : vector<16xi1>
        %parallel_loop3A_259, %parallel_loop3A_260 = tpu.scan_count mask(%parallel_loop3A_258 : vector<16xi1>) value(%parallel_loop3A_248 : vector<16xi32>) : vector<16xi1>, vector<16xi32>
        %parallel_loop3A_261 = arith.constant 7 : i32
        %parallel_loop3A_262 = vector.broadcast %parallel_loop3A_261 : i32 to vector<16xi32>
        %parallel_loop3A_263 = arith.shrui %parallel_loop3A_248, %parallel_loop3A_262 : vector<16xi32>
        %parallel_loop3A_264 = arith.constant 127 : i32
        %parallel_loop3A_265 = vector.broadcast %parallel_loop3A_264 : i32 to vector<16xi32>
        %parallel_loop3A_266 = arith.andi %parallel_loop3A_248, %parallel_loop3A_265 : vector<16xi32>
        %parallel_loop3A_267 = arith.sitofp %parallel_loop3A_260 : vector<16xi32> to vector<16xf32>
        tpu.vector_store_idx %arg7[%parallel_loop3A_263, %parallel_loop3A_266], %parallel_loop3A_267 masked %parallel_loop3A_259 {add = true} : memref<128x128xf32, #tpu.memory_space<vmem>>[vector<16xi32>, vector<16xi32>], vector<16xf32>, vector<16xi1>
      } {sc.loop_unroll_factor = 3 : i64, sc.parallel_access}
    }
    %while3A_194 = arith.constant 1 : i32
    scf.for %while3A_203 = %while3A_192 to %while3A_188 step %while3A_194  : i32 {
      %add3A_204 = arith.addi %shift_right_logical3A_171, %while3A_203 : i32
      %mul3A_205 = arith.constant 16384 : i32
      %mul3A_206 = arith.muli %add3A_204, %mul3A_205 : i32
      %min3A = arith.constant 483616 : i32
      %min3A_207 = arith.minsi %mul3A_206, %min3A : i32
      %dma_start3A = tpu.memref_slice %arg2[%min3A_207] : memref<500000xi32, #tpu.memory_space<hbm>> -> memref<16384xi32, #tpu.memory_space<hbm>>
      %dma_start3A_208 = tpu.memref_slice %arg2[%min3A_207] : memref<500000xi32, #tpu.memory_space<hbm>> -> memref<16384xi32, #tpu.memory_space<hbm>>
      tpu.enqueue_dma source(%dma_start3A_208 : memref<16384xi32, #tpu.memory_space<hbm>>) target(%arg6 : memref<16384xi32, #tpu.memory_space<vmem>>) target_semaphore(%arg12 : memref<!tpu.dma_semaphore, #tpu.memory_space<semaphore_mem>>)
      %dma_start3A_209 = tpu.memref_slice %arg3[%min3A_207] : memref<500000xi32, #tpu.memory_space<hbm>> -> memref<16384xi32, #tpu.memory_space<hbm>>
      %dma_start3A_210 = tpu.memref_slice %arg3[%min3A_207] : memref<500000xi32, #tpu.memory_space<hbm>> -> memref<16384xi32, #tpu.memory_space<hbm>>
      tpu.enqueue_dma source(%dma_start3A_210 : memref<16384xi32, #tpu.memory_space<hbm>>) target(%arg5 : memref<16384xi32, #tpu.memory_space<vmem>>) target_semaphore(%arg13 : memref<!tpu.dma_semaphore, #tpu.memory_space<semaphore_mem>>)
      %dma_wait3A = tpu.memref_slice %arg2[%min3A_207] : memref<500000xi32, #tpu.memory_space<hbm>> -> memref<16384xi32, #tpu.memory_space<hbm>>
      %dma_wait3A_211 = tpu.memref_slice %arg2[%min3A_207] : memref<500000xi32, #tpu.memory_space<hbm>> -> memref<16384xi32, #tpu.memory_space<hbm>>
      tpu.wait_dma2 semaphore(%arg12 : memref<!tpu.dma_semaphore, #tpu.memory_space<semaphore_mem>>) src(%dma_wait3A_211 : memref<16384xi32, #tpu.memory_space<hbm>>) dst(%arg6 : memref<16384xi32, #tpu.memory_space<vmem>>)
      %dma_wait3A_212 = tpu.memref_slice %arg3[%min3A_207] : memref<500000xi32, #tpu.memory_space<hbm>> -> memref<16384xi32, #tpu.memory_space<hbm>>
      %dma_wait3A_213 = tpu.memref_slice %arg3[%min3A_207] : memref<500000xi32, #tpu.memory_space<hbm>> -> memref<16384xi32, #tpu.memory_space<hbm>>
      tpu.wait_dma2 semaphore(%arg13 : memref<!tpu.dma_semaphore, #tpu.memory_space<semaphore_mem>>) src(%dma_wait3A_213 : memref<16384xi32, #tpu.memory_space<hbm>>) dst(%arg5 : memref<16384xi32, #tpu.memory_space<vmem>>)
      %mul3A_214 = arith.constant 16384 : i32
      %mul3A_215 = arith.muli %add3A_204, %mul3A_214 : i32
      %max3A = arith.maxsi %mul3A_215, %add3A_169 : i32
      %add3A_216 = arith.constant 1 : i32
      %add3A_217 = arith.addi %add3A_204, %add3A_216 : i32
      %mul3A_218 = arith.constant 16384 : i32
      %mul3A_219 = arith.muli %add3A_217, %mul3A_218 : i32
      %add3A_220 = arith.addi %add3A_169, %add3A_168 : i32
      %min3A_221 = arith.minsi %mul3A_219, %add3A_220 : i32
      %sub3A_222 = arith.subi %max3A, %min3A_207 : i32
      %shift_right_logical3A_223 = arith.constant 4 : i32
      %shift_right_logical3A_224 = arith.shrui %sub3A_222, %shift_right_logical3A_223 : i32
      %sub3A_225 = arith.subi %min3A_221, %min3A_207 : i32
      %add3A_226 = arith.constant 15 : i32
      %add3A_227 = arith.addi %sub3A_225, %add3A_226 : i32
      %shift_right_logical3A_228 = arith.constant 4 : i32
      %shift_right_logical3A_229 = arith.shrui %add3A_227, %shift_right_logical3A_228 : i32
      %parallel_loop3A_230 = arith.constant 1 : i32
      scf.for %parallel_loop3A_231 = %shift_right_logical3A_224 to %shift_right_logical3A_229 step %parallel_loop3A_230  : i32 {
        %parallel_loop3A_232 = arith.constant 16 : i32
        %parallel_loop3A_233 = arith.muli %parallel_loop3A_231, %parallel_loop3A_232 : i32
        %parallel_loop3A_234 = arith.index_cast %parallel_loop3A_233 : i32 to index
        %parallel_loop3A_235 = tpu.vector_load %arg5[%parallel_loop3A_234] {strides = array<i32>} : memref<16384xi32, #tpu.memory_space<vmem>>, vector<16xi32>,
        %parallel_loop3A_236 = arith.constant 16 : i32
        %parallel_loop3A_237 = arith.muli %parallel_loop3A_231, %parallel_loop3A_236 : i32
        %parallel_loop3A_238 = arith.index_cast %parallel_loop3A_237 : i32 to index
        %parallel_loop3A_239 = tpu.vector_load %arg6[%parallel_loop3A_238] {strides = array<i32>} : memref<16384xi32, #tpu.memory_space<vmem>>, vector<16xi32>,
        %parallel_loop3A_240 = vector.broadcast %mul3A_185 : i32 to vector<16xi32>
        %parallel_loop3A_241 = arith.subi %parallel_loop3A_235, %parallel_loop3A_240 : vector<16xi32>
        %parallel_loop3A_242 = arith.constant 128 : i32
        %parallel_loop3A_243 = vector.broadcast %parallel_loop3A_242 : i32 to vector<16xi32>
        %parallel_loop3A_244 = arith.muli %parallel_loop3A_241, %parallel_loop3A_243 : vector<16xi32>
        %parallel_loop3A_245 = arith.addi %parallel_loop3A_244, %parallel_loop3A_239 : vector<16xi32>
        %parallel_loop3A_246 = arith.constant 8192 : i32
        %parallel_loop3A_247 = vector.broadcast %parallel_loop3A_246 : i32 to vector<16xi32>
        %parallel_loop3A_248 = arith.addi %parallel_loop3A_245, %parallel_loop3A_247 : vector<16xi32>
        %parallel_loop3A_249 = arith.constant 16 : i32
        %parallel_loop3A_250 = arith.muli %parallel_loop3A_231, %parallel_loop3A_249 : i32
        %parallel_loop3A_251 = arith.addi %min3A_207, %parallel_loop3A_250 : i32
        %parallel_loop3A_252 = vector.broadcast %parallel_loop3A_251 : i32 to vector<16xi32>
        %parallel_loop3A_253 = arith.addi %parallel_loop3A_252, %iota3A : vector<16xi32>
        %parallel_loop3A_254 = vector.broadcast %max3A : i32 to vector<16xi32>
        %parallel_loop3A_255 = arith.cmpi sge, %parallel_loop3A_253, %parallel_loop3A_254 : vector<16xi32>
        %parallel_loop3A_256 = vector.broadcast %min3A_221 : i32 to vector<16xi32>
        %parallel_loop3A_257 = arith.cmpi slt, %parallel_loop3A_253, %parallel_loop3A_256 : vector<16xi32>
        %parallel_loop3A_258 = arith.andi %parallel_loop3A_255, %parallel_loop3A_257 : vector<16xi1>
        %parallel_loop3A_259, %parallel_loop3A_260 = tpu.scan_count mask(%parallel_loop3A_258 : vector<16xi1>) value(%parallel_loop3A_248 : vector<16xi32>) : vector<16xi1>, vector<16xi32>
        %parallel_loop3A_261 = arith.constant 7 : i32
        %parallel_loop3A_262 = vector.broadcast %parallel_loop3A_261 : i32 to vector<16xi32>
        %parallel_loop3A_263 = arith.shrui %parallel_loop3A_248, %parallel_loop3A_262 : vector<16xi32>
        %parallel_loop3A_264 = arith.constant 127 : i32
        %parallel_loop3A_265 = vector.broadcast %parallel_loop3A_264 : i32 to vector<16xi32>
        %parallel_loop3A_266 = arith.andi %parallel_loop3A_248, %parallel_loop3A_265 : vector<16xi32>
        %parallel_loop3A_267 = arith.sitofp %parallel_loop3A_260 : vector<16xi32> to vector<16xf32>
        tpu.vector_store_idx %arg7[%parallel_loop3A_263, %parallel_loop3A_266], %parallel_loop3A_267 masked %parallel_loop3A_259 {add = true} : memref<128x128xf32, #tpu.memory_space<vmem>>[vector<16xi32>, vector<16xi32>], vector<16xf32>, vector<16xi1>
      } {sc.loop_unroll_factor = 3 : i64, sc.parallel_access}
    }
    "tpu.trace_stop"() : () -> ()
    "tpu.trace_start"() <{level = 10 : i32, message = "ph_out"}> : () -> ()
    %add3A_195 = arith.constant 0 : i32
    %add3A_196 = arith.addi %arg1, %add3A_195 : i32
    %mul3A_197 = arith.constant 64 : i32
    %mul3A_198 = arith.muli %add3A_196, %mul3A_197 : i32
    "tpu.region"() ({
      %run_scoped3A = tpu.sem_alloc : memref<!tpu.dma_semaphore, #tpu.memory_space<semaphore_mem>>
      %dma_start3A = arith.constant 0 : i32
      %dma_start3A_203 = arith.constant 0 : i32
      %dma_start3A_204 = tpu.memref_slice %arg7[%dma_start3A, %dma_start3A_203] : memref<128x128xf32, #tpu.memory_space<vmem>> -> memref<64x128xf32, #tpu.memory_space<vmem>>
      %dma_start3A_205 = arith.constant 0 : i32
      %dma_start3A_206 = tpu.memref_slice %arg4[%arg0, %mul3A_198, %dma_start3A_205] : memref<2x2048x128xf32, #tpu.memory_space<hbm>> -> memref<1x64x128xf32, #tpu.memory_space<hbm>>
      %dma_start3A_207 = tpu.memref_squeeze %dma_start3A_206 : memref<1x64x128xf32, #tpu.memory_space<hbm>> -> memref<64x128xf32, #tpu.memory_space<hbm>>
      %dma_start3A_208 = arith.constant 0 : i32
      %dma_start3A_209 = tpu.memref_slice %arg4[%arg0, %mul3A_198, %dma_start3A_208] : memref<2x2048x128xf32, #tpu.memory_space<hbm>> -> memref<1x64x128xf32, #tpu.memory_space<hbm>>
      %dma_start3A_210 = tpu.memref_squeeze %dma_start3A_209 : memref<1x64x128xf32, #tpu.memory_space<hbm>> -> memref<64x128xf32, #tpu.memory_space<hbm>>
      %dma_start3A_211 = arith.constant 0 : i32
      %dma_start3A_212 = arith.constant 0 : i32
      %dma_start3A_213 = tpu.memref_slice %arg7[%dma_start3A_211, %dma_start3A_212] : memref<128x128xf32, #tpu.memory_space<vmem>> -> memref<64x128xf32, #tpu.memory_space<vmem>>
      tpu.enqueue_dma source(%dma_start3A_213 : memref<64x128xf32, #tpu.memory_space<vmem>>) target(%dma_start3A_210 : memref<64x128xf32, #tpu.memory_space<hbm>>) target_semaphore(%run_scoped3A : memref<!tpu.dma_semaphore, #tpu.memory_space<semaphore_mem>>)
      %dma_wait3A = arith.constant 0 : i32
      %dma_wait3A_214 = arith.constant 0 : i32
      %dma_wait3A_215 = tpu.memref_slice %arg7[%dma_wait3A, %dma_wait3A_214] : memref<128x128xf32, #tpu.memory_space<vmem>> -> memref<64x128xf32, #tpu.memory_space<vmem>>
      %dma_wait3A_216 = arith.constant 0 : i32
      %dma_wait3A_217 = tpu.memref_slice %arg4[%arg0, %mul3A_198, %dma_wait3A_216] : memref<2x2048x128xf32, #tpu.memory_space<hbm>> -> memref<1x64x128xf32, #tpu.memory_space<hbm>>
      %dma_wait3A_218 = tpu.memref_squeeze %dma_wait3A_217 : memref<1x64x128xf32, #tpu.memory_space<hbm>> -> memref<64x128xf32, #tpu.memory_space<hbm>>
      %dma_wait3A_219 = arith.constant 0 : i32
      %dma_wait3A_220 = tpu.memref_slice %arg4[%arg0, %mul3A_198, %dma_wait3A_219] : memref<2x2048x128xf32, #tpu.memory_space<hbm>> -> memref<1x64x128xf32, #tpu.memory_space<hbm>>
      %dma_wait3A_221 = tpu.memref_squeeze %dma_wait3A_220 : memref<1x64x128xf32, #tpu.memory_space<hbm>> -> memref<64x128xf32, #tpu.memory_space<hbm>>
      %dma_wait3A_222 = arith.constant 0 : i32
      %dma_wait3A_223 = arith.constant 0 : i32
      %dma_wait3A_224 = tpu.memref_slice %arg7[%dma_wait3A_222, %dma_wait3A_223] : memref<128x128xf32, #tpu.memory_space<vmem>> -> memref<64x128xf32, #tpu.memory_space<vmem>>
      tpu.wait_dma2 semaphore(%run_scoped3A : memref<!tpu.dma_semaphore, #tpu.memory_space<semaphore_mem>>) src(%dma_wait3A_224 : memref<64x128xf32, #tpu.memory_space<vmem>>) dst(%dma_wait3A_221 : memref<64x128xf32, #tpu.memory_space<hbm>>)
      tpu.yield
    }) : () -> ()
    %add3A_199 = arith.constant 16 : i32
    %add3A_200 = arith.addi %arg1, %add3A_199 : i32
    %mul3A_201 = arith.constant 64 : i32
    %mul3A_202 = arith.muli %add3A_200, %mul3A_201 : i32
    "tpu.region"() ({
      %run_scoped3A = tpu.sem_alloc : memref<!tpu.dma_semaphore, #tpu.memory_space<semaphore_mem>>
      %dma_start3A = arith.constant 64 : i32
      %dma_start3A_203 = arith.constant 0 : i32
      %dma_start3A_204 = tpu.memref_slice %arg7[%dma_start3A, %dma_start3A_203] : memref<128x128xf32, #tpu.memory_space<vmem>> -> memref<64x128xf32, #tpu.memory_space<vmem>>
      %dma_start3A_205 = arith.constant 0 : i32
      %dma_start3A_206 = tpu.memref_slice %arg4[%arg0, %mul3A_202, %dma_start3A_205] : memref<2x2048x128xf32, #tpu.memory_space<hbm>> -> memref<1x64x128xf32, #tpu.memory_space<hbm>>
      %dma_start3A_207 = tpu.memref_squeeze %dma_start3A_206 : memref<1x64x128xf32, #tpu.memory_space<hbm>> -> memref<64x128xf32, #tpu.memory_space<hbm>>
      %dma_start3A_208 = arith.constant 0 : i32
      %dma_start3A_209 = tpu.memref_slice %arg4[%arg0, %mul3A_202, %dma_start3A_208] : memref<2x2048x128xf32, #tpu.memory_space<hbm>> -> memref<1x64x128xf32, #tpu.memory_space<hbm>>
      %dma_start3A_210 = tpu.memref_squeeze %dma_start3A_209 : memref<1x64x128xf32, #tpu.memory_space<hbm>> -> memref<64x128xf32, #tpu.memory_space<hbm>>
      %dma_start3A_211 = arith.constant 64 : i32
      %dma_start3A_212 = arith.constant 0 : i32
      %dma_start3A_213 = tpu.memref_slice %arg7[%dma_start3A_211, %dma_start3A_212] : memref<128x128xf32, #tpu.memory_space<vmem>> -> memref<64x128xf32, #tpu.memory_space<vmem>>
      tpu.enqueue_dma source(%dma_start3A_213 : memref<64x128xf32, #tpu.memory_space<vmem>>) target(%dma_start3A_210 : memref<64x128xf32, #tpu.memory_space<hbm>>) target_semaphore(%run_scoped3A : memref<!tpu.dma_semaphore, #tpu.memory_space<semaphore_mem>>)
      %dma_wait3A = arith.constant 64 : i32
      %dma_wait3A_214 = arith.constant 0 : i32
      %dma_wait3A_215 = tpu.memref_slice %arg7[%dma_wait3A, %dma_wait3A_214] : memref<128x128xf32, #tpu.memory_space<vmem>> -> memref<64x128xf32, #tpu.memory_space<vmem>>
      %dma_wait3A_216 = arith.constant 0 : i32
      %dma_wait3A_217 = tpu.memref_slice %arg4[%arg0, %mul3A_202, %dma_wait3A_216] : memref<2x2048x128xf32, #tpu.memory_space<hbm>> -> memref<1x64x128xf32, #tpu.memory_space<hbm>>
      %dma_wait3A_218 = tpu.memref_squeeze %dma_wait3A_217 : memref<1x64x128xf32, #tpu.memory_space<hbm>> -> memref<64x128xf32, #tpu.memory_space<hbm>>
      %dma_wait3A_219 = arith.constant 0 : i32
      %dma_wait3A_220 = tpu.memref_slice %arg4[%arg0, %mul3A_202, %dma_wait3A_219] : memref<2x2048x128xf32, #tpu.memory_space<hbm>> -> memref<1x64x128xf32, #tpu.memory_space<hbm>>
      %dma_wait3A_221 = tpu.memref_squeeze %dma_wait3A_220 : memref<1x64x128xf32, #tpu.memory_space<hbm>> -> memref<64x128xf32, #tpu.memory_space<hbm>>
      %dma_wait3A_222 = arith.constant 64 : i32
      %dma_wait3A_223 = arith.constant 0 : i32
      %dma_wait3A_224 = tpu.memref_slice %arg7[%dma_wait3A_222, %dma_wait3A_223] : memref<128x128xf32, #tpu.memory_space<vmem>> -> memref<64x128xf32, #tpu.memory_space<vmem>>
      tpu.wait_dma2 semaphore(%run_scoped3A : memref<!tpu.dma_semaphore, #tpu.memory_space<semaphore_mem>>) src(%dma_wait3A_224 : memref<64x128xf32, #tpu.memory_space<vmem>>) dst(%dma_wait3A_221 : memref<64x128xf32, #tpu.memory_space<hbm>>)
      tpu.yield
    }) : () -> ()
    "tpu.trace_stop"() : () -> ()
    return
  }
}

module attributes {stable_mosaic.version = 14 : i64} {
  func.func @_tc_matmul_body(%arg0: memref<2x2048x128xf32, #tpu.memory_space<vmem>>, %arg1: memref<128x128xf32, #tpu.memory_space<vmem>>, %arg2: memref<128x1xi32, #tpu.memory_space<vmem>>, %arg3: memref<2048x128xf32, #tpu.memory_space<vmem>>) attributes {dimension_semantics = [], scalar_prefetch = 0 : i64, scratch_operands = 0 : i64, tpu.core_type = #tpu.core_type<tc>} {
    %get3A = arith.constant 0 : index
    %get3A_0 = arith.constant 0 : index
    %get3A_1 = arith.constant 0 : index
    %get3A_2 = vector.load %arg0[%get3A, %get3A_0, %get3A_1] : memref<2x2048x128xf32, #tpu.memory_space<vmem>>, vector<1x2048x128xf32>
    %get3A_3 = vector.shape_cast %get3A_2 : vector<1x2048x128xf32> to vector<2048x128xf32>
    %get3A_4 = arith.constant 1 : index
    %get3A_5 = arith.constant 0 : index
    %get3A_6 = arith.constant 0 : index
    %get3A_7 = vector.load %arg0[%get3A_4, %get3A_5, %get3A_6] : memref<2x2048x128xf32, #tpu.memory_space<vmem>>, vector<1x2048x128xf32>
    %get3A_8 = vector.shape_cast %get3A_7 : vector<1x2048x128xf32> to vector<2048x128xf32>
    %add3A = arith.addf %get3A_3, %get3A_8 : vector<2048x128xf32>
    %iota3A = tpu.iota {dimensions = array<i32: 1>} : vector<128x128xi32>
    %get3A_9 = arith.constant 0 : index
    %get3A_10 = arith.constant 0 : index
    %get3A_11 = vector.load %arg2[%get3A_9, %get3A_10] : memref<128x1xi32, #tpu.memory_space<vmem>>, vector<128x1xi32>
    %eq3A = vector.broadcast %get3A_11 : vector<128x1xi32> to vector<128x128xi32>
    %eq3A_12 = arith.cmpi eq, %eq3A, %iota3A : vector<128x128xi32>
    %convert_element_type3A = arith.extui %eq3A_12 : vector<128x128xi1> to vector<128x128xi32>
    %convert_element_type3A_13 = arith.sitofp %convert_element_type3A : vector<128x128xi32> to vector<128x128xf32>
    %get3A_14 = arith.constant 0 : index
    %get3A_15 = arith.constant 0 : index
    %get3A_16 = vector.load %arg1[%get3A_14, %get3A_15] : memref<128x128xf32, #tpu.memory_space<vmem>>, vector<128x128xf32>
    %dot_general3A = arith.constant dense<0.000000e+00> : vector<128x128xf32>
    %dot_general3A_17 = tpu.matmul %convert_element_type3A_13, %get3A_16, %dot_general3A {dimension_numbers = #tpu.dot_dimension_numbers<[1], [0], [0], [1], [0, 0, 1, 1], [], []>, transpose_lhs_hint = false} : vector<128x128xf32>, vector<128x128xf32>, vector<128x128xf32> -> vector<128x128xf32>
    %dot_general3A_18 = arith.constant dense<0.000000e+00> : vector<2048x128xf32>
    %dot_general3A_19 = tpu.matmul %add3A, %dot_general3A_17, %dot_general3A_18 {dimension_numbers = #tpu.dot_dimension_numbers<[1], [0], [0], [1], [0, 0, 1, 1], [], []>, transpose_lhs_hint = false} : vector<2048x128xf32>, vector<128x128xf32>, vector<2048x128xf32> -> vector<2048x128xf32>
    %swap3A = arith.constant 0 : index
    %swap3A_20 = arith.constant 0 : index
    %swap3A_21 = vector.load %arg3[%swap3A, %swap3A_20] : memref<2048x128xf32, #tpu.memory_space<vmem>>, vector<2048x128xf32>
    tpu.vector_store %arg3[%swap3A, %swap3A_20], %dot_general3A_19 {strides = array<i32>} : memref<2048x128xf32, #tpu.memory_space<vmem>>, vector<2048x128xf32>,
    return
  }
}

</mosaic_0001>

<sc_bundles>
// kernel: kernel.4.cloned.1.call-start
scs
__scs_entry_jumppad:
0x0: {  	(pc) =	sbr.rel $0x88, $3  }
0x1: {  	(tag) =	ssettag $0x0;
	lr =	simm.s32 $0x1  }
0x2: {  	[smem:$0x3F9D] =	sst lr;
	_ =	strace $0xD0000000  }
0x3: {  	_ = 	snop  }
0x4: {  	_ = 	snop  }
0x5: {  	_ = 	snop  }
0x6: {  	_ = 	snop  }
0x7: {  	_ = 	snop  }
__scs_overlays_trampoline_lowered:
0x8: {  	[smem:$0x3FAC] =	sst s0  }
0x9: {  	[smem:$0x3FAD] =	sst s1  }
0xa: {  	[smem:$0x3FAE] =	sst s2  }
0xb: {  	[smem:$0x3FAF] =	sst s3  }
0xc: {  	[smem:$0x3FB0] =	sst s4  }
0xd: {  	[smem:$0x3FB1] =	sst s5  }
0xe: {  	[smem:$0x3FB2] =	sst s6  }
0xf: {  	[smem:$0x3FB3] =	sst s7  }
0x10: {  	[smem:$0x3FB4] =	sst s8  }
0x11: {  	[smem:$0x3FB5] =	sst s9;
	s0 =	simm.s32 @!p0 $0x0  }
0x12: {  	s1 =	sld [smem:$0x3F9B];
	s0 =	simm.s32 @p0 $0x1  }
0x13: {  	[smem:$0x3FB6] =	sst s0;
	s0 =	simm.s32 @!p1 $0x0  }
0x14: {  	s2 =	sld [smem:$0x3F9A];
	s0 =	simm.s32 @p1 $0x1  }
0x15: {  	[smem:$0x3FB7] =	sst s0;
	s0 =	simm.s32 @!p2 $0x0  }
0x16: {  	s3 =	sld [smem:$0x3FDB];
	s0 =	simm.s32 @p2 $0x1  }
0x17: {  	s4 =	simm.s32 $0x1BF5;
	[smem:$0x3FB9] =	sst s0  }
0x18: {  	s0 =	sld [smem:$0x3F9C];
	_ =	swait.ge [sflag:s4], $0x0  }
0x19: {  	s7 =	sld [smem:$0x3F9D]  }
0x1a: {  	s8 =	sadd.s32 $0xFFFFE003, lr  }
0x1b: {  	s9 =	sadd.s32 $0xFFFFFEF7, lr;
	s5 =	simm.s32 $0xFFFFFFFF;
	p2 =	slt.u32 s8, $0xFFFFF086  }
0x1c: {  	p1 =	slt.u32 s9, $0xF7A;
	s5 =	simm.s32 @!p2 $0x0  }
0x1d: {  	s5 =	simm.s32 @p1 $0x1;
	p0 =	seq.s32 s7, s2  }
0x1e: {  	s7 =	smul.u32 @!p0 $0xF7A, s2;
	p2 =	seq.s32 @!p0 s5, $0x0  }
0x1f: {  	s9 =	smul.u32 $0xF7A, s1;
	s8 =	simm.s32 @!p0 $0x1BF5;
	p2 =	por !p2, p0  }
0x20: {  	[sflag:s8] =	ssyncset.s32 @!p0 $0xFFFFF086;
	s6 =	sadd.s32 @!p0 s3, s7;
	s7 =	simm.s32 @!p0 $0x108  }
0x21: {  	s3 =	sadd.s32 s3, s9;
	s6 =	sadd.s32 @!p0 $0x88, s6;
	s7 =	simm.s32 @p2 $0x1082  }
0x22: {  	[simem:s7], [sflag:s8] =	dma.local @!p0 [hbm:s6], $0xF7A  }
0x23: {  	s9 =	sor.u32 $0xD0000000, s2;
	s6 =	simm.s32 $0x108;
	_ =	swait.ge @!p0 [sflag:s8], $0x0  }
0x24: {  	s3 =	sadd.s32 $0x88, s3;
	s6 =	simm.s32 @!p1 $0x1082;
	[sflag:s4] =	ssyncset.s32 $0xFFFFF086  }
0x25: {  	[simem:s6], [sflag:s4] =	dma.local [hbm:s3], $0xF7A  }
0x26: {  	[smem:$0x3F9D] =	sst s1;
	(tag) =	ssettag s2;
	_ =	strace s9  }
0x27: {  	s1 =	sld [smem:$0x3FAD]  }
0x28: {  	s2 =	sld [smem:$0x3FAE]  }
0x29: {  	s4 =	sld [smem:$0x3FB0]  }
0x2a: {  	p0 =	seq.s32 s5, $0x0;
	s5 =	sld [smem:$0x3FB1]  }
0x2b: {  	s6 =	sld [smem:$0x3FB2]  }
0x2c: {  	s7 =	sld [smem:$0x3FB3]  }
0x2d: {  	s3 =	simm.s32 $0x108;
	s8 =	sld [smem:$0x3FB4]  }
0x2e: {  	s3 =	simm.s32 @!p0 $0x1082;
	s9 =	sld [smem:$0x3FB5]  }
0x2f: {  	lr =	sadd.s32 s0, s3;
	s0 =	sld [smem:$0x3FAC]  }
0x30: {  	s3 =	sld [smem:$0x3FAF]  }
0x31: {  	[smem:$0x3FB8] =	sst s10  }
0x32: {  	s10 =	sld [smem:$0x3FB6];
	_ =	sdelay $0x3  }
0x33: {  	p0 =	seq.s32 s10, $0x1;
	s10 =	sld [smem:$0x3FB8];
	_ =	sdelay $0x3  }
0x34: {  	[smem:$0x3FB8] =	sst s10  }
0x35: {  	s10 =	sld [smem:$0x3FB7];
	_ =	sdelay $0x3  }
0x36: {  	p1 =	seq.s32 s10, $0x1;
	s10 =	sld [smem:$0x3FB8];
	_ =	sdelay $0x3  }
0x37: {  	[smem:$0x3FB8] =	sst s10  }
0x38: {  	s10 =	sld [smem:$0x3FB9]  }
0x39: {  	_ = 	snop;
	(pc) =	sbr.ind lr, $3  }
0x3a: {  	_ = 	snop  }
0x3b: {  	_ = 	snop  }
0x3c: {  	p2 =	seq.s32 s10, $0x1;
	s10 =	sld [smem:$0x3FB8]  }
0x3d: {  	_ =	shalt  }
0x3e: {  	_ =	shalt  }
0x3f: {  	_ =	shalt  }
0x40: {  	_ =	shalt  }
0x41: {  	_ =	shalt  }
0x42: {  	_ =	shalt  }
0x43: {  	_ =	shalt  }
0x44: {  	_ =	shalt  }
0x45: {  	_ =	shalt  }
0x46: {  	_ =	shalt  }
0x47: {  	_ =	shalt  }
0x48: {  	_ =	shalt  }
0x49: {  	_ =	shalt  }
0x4a: {  	_ =	shalt  }
0x4b: {  	_ =	shalt  }
0x4c: {  	_ =	shalt  }
0x4d: {  	_ =	shalt  }
0x4e: {  	_ =	shalt  }
0x4f: {  	_ =	shalt  }
0x50: {  	_ =	shalt  }
0x51: {  	_ =	shalt  }
0x52: {  	_ =	shalt  }
0x53: {  	_ =	shalt  }
0x54: {  	_ =	shalt  }
0x55: {  	_ =	shalt  }
0x56: {  	_ =	shalt  }
0x57: {  	_ =	shalt  }
0x58: {  	_ =	shalt  }
0x59: {  	_ =	shalt  }
0x5a: {  	_ =	shalt  }
0x5b: {  	_ =	shalt  }
0x5c: {  	_ =	shalt  }
0x5d: {  	_ =	shalt  }
0x5e: {  	_ =	shalt  }
0x5f: {  	_ =	shalt  }
0x60: {  	_ =	shalt  }
0x61: {  	_ =	shalt  }
0x62: {  	_ =	shalt  }
0x63: {  	_ =	shalt  }
0x64: {  	_ =	shalt  }
0x65: {  	_ =	shalt  }
0x66: {  	_ =	shalt  }
0x67: {  	_ =	shalt  }
0x68: {  	_ =	shalt  }
0x69: {  	_ =	shalt  }
0x6a: {  	_ =	shalt  }
0x6b: {  	_ =	shalt  }
0x6c: {  	_ =	shalt  }
0x6d: {  	_ =	shalt  }
0x6e: {  	_ =	shalt  }
0x6f: {  	_ =	shalt  }
0x70: {  	_ =	shalt  }
0x71: {  	_ =	shalt  }
0x72: {  	_ =	shalt  }
0x73: {  	_ =	shalt  }
0x74: {  	_ =	shalt  }
0x75: {  	_ =	shalt  }
0x76: {  	_ =	shalt  }
0x77: {  	_ =	shalt  }
0x78: {  	_ =	shalt  }
0x79: {  	_ =	shalt  }
0x7a: {  	_ =	shalt  }
0x7b: {  	_ =	shalt  }
0x7c: {  	_ =	shalt  }
0x7d: {  	_ =	shalt  }
0x7e: {  	_ =	shalt  }
0x7f: {  	_ =	shalt  }
0x80: {  	_ =	shalt  }
0x81: {  	_ =	shalt  }
0x82: {  	_ =	shalt  }
0x83: {  	_ =	shalt  }
0x84: {  	_ =	shalt  }
0x85: {  	_ =	shalt  }
0x86: {  	_ =	shalt  }
0x87: {  	_ =	shalt  }
.Lfunc_end0:
.L_simem_size_0:
called_computation_lowered:
.L_overlay_start_0:
0x88: {  	s2 =	sld [smem:$0x3FD9]  }
0x89: {  	s3 =	sld [smem:$0x3FFE];
	_ =	sdelay $0x1  }
0x8a: {  	s1 =	srdreg.scid  }
0x8b: {  	s0 =	sand.u32 $0x1, s1  }
0x8c: {  	s17 =	sshll.u32 s0, $0xA;
	s2 =	sadd.s32 s3, s2  }
0x8d: {  	s2 =	sadd.s32 s2, s17  }
0x8e: {  	[smem:$0x3FC4] =	sst s2  }
0x8f: {  	_ = 	snop  }
0x90: {  	s2 =	sld [smem:$0x3FC9]  }
0x91: {  	s18 =	sld [smem:$0x3FC8];
	(tm) =	ssettm $0x1  }
0x92: {  	s4 =	sld [smem:$0x3FFB];
	_ =	sdelay $0x3  }
0x93: {  	_ =	strace s4  }
0x94: {  	s4 =	sld [smem:$0x3FFC];
	_ =	sdelay $0x3  }
0x95: {  	_ =	strace s4  }
0x96: {  	s4 =	sld [smem:$0x3FFD];
	_ =	sdelay $0x3  }
0x97: {  	_ =	strace s4  }
0x98: {  	_ =	strace $0x8FFFFFFF  }
0x99: {  	s19 =	sld [smem:$0x3FDB];
	_ =	sdelay $0x1  }
0x9a: {  	s5 =	simm.s32 $_scs_section_size  }
0x9b: {  	s6 =	simm.s32 $_size__tile_overlayer_lowered;
	s7 =	simm.s32 $_tile_overlayer_lowered  }
0x9c: {  	s22 =	simm.s32 $0x1BFF;
	s21 =	sshll.u32 s7, $0x1;
	s4 =	sadd.s32 s5, s19  }
0x9d: {  	s8 =	simm.s32 $0x0;
	s20 =	sshll.u32 s6, $0x1;
	s6 =	sadd.s32 s21, s4  }
0x9e: {  	[timem:s8], [sflag:s22] =	dma.local [hbm:s6], s20  }
0x9f: {  	_ =	swait.ge [sflag:s22], s20  }
0xa0: {  	s5 =	ssub.s32 $0x0, s20;
	[sflag:s22] =	ssyncset.done $0x0  }
0xa1: {  	[sflag:s22] =	ssyncadd.s32 s5;
	_ =	sdelay $0x1  }
0xa2: {  	s23 =	simm.s32 $0x1B8B  }
0xa3: {  	_ =	swait.ge [sflag:s23], $0x1  }
0xa4: {  	[sflag:s23] =	ssyncset.done $0x0  }
0xa5: {  	s25 =	simm.s32 $0x1B8E;
	s24 =	sld [smem:$0x3FFE];
	[sflag:s23] =	ssyncadd.s32 $0xFFFFFFFF  }
0xa6: {  	s26 =	simm.s32 $execute0_lowered;
	[smem:$0x3FD2] =	sst s25  }
0xa7: {  	s6 =	sshll.u32 s26, $0x1;
	_ =	strace $0x80000046;
	[dreg:$0x1] =	wrdreg $0xFFFFFFFF  }
0xa8: {  	s28 =	simm.s32 $_size_execute0_lowered;
	s4 =	sadd.s32 s4, s6;
	[dreg:$0x0] =	wrdreg $0x0  }
0xa9: {  	s6 =	sshll.u32 s28, $0x1;
	[dreg:$0x2] =	wrdreg s4  }
0xaa: {  	[dreg:$0x3] =	wrdreg s6  }
0xab: {  	[dreg:$0x4] =	wrdreg $0xC0  }
0xac: {  	_ =	task [dreg:s8], $0x5FFFF  }
0xad: {  	[dreg:$0x1] =	wrdreg $0xFFFFFFFF  }
0xae: {  	[dreg:$0x0] =	wrdreg $0x60  }
0xaf: {  	[dreg:$0x2] =	wrdreg s2  }
0xb0: {  	[dreg:$0x3] =	wrdreg s18  }
0xb1: {  	[dreg:$0x4] =	wrdreg s24  }
0xb2: {  	[dreg:$0x5] =	wrdreg $0xC1800  }
0xb3: {  	[dreg:$0x6] =	wrdreg $0x9  }
0xb4: {  	_ =	task.clear_ibuf [dreg:s8], $0x7FFFF;
	_ =	strace $0x90000046  }
0xb5: {  	s29 =	simm.s32 $0x9;
	_ =	strace $0x8000004C  }
0xb6: {  	_ =	swait.ge [sflag:s29], $0x1  }
0xb7: {  	[sflag:s29] =	ssyncadd.s32 $0xFFFFFFFF  }
0xb8: {  	_ =	strace $0x9000004C  }
0xb9: {  	_ =	sfence  }
0xba: {  	s30 =	sld [smem:$0x0];
	_ =	sdelay $0x2  }
0xbb: {  	s31 =	sshll.u32 s1, $0xD;
	s1 =	sshrl.u32 s1, $0x2  }
0xbc: {  	s3 =	sand.u32 $0x4000, s31;
	s1 =	sadd.s32 s1, s30  }
0xbd: {  	s0 =	sor.u32 s3, s0;
	s1 =	sshll.u32 s1, $0x11  }
0xbe: {  	s0 =	sor.u32 s1, s0  }
0xbf: {  	s0 =	sadd.s32 $0x8F2B, s0  }
0xc0: {  	[sflag:s0] =	ssyncadd.remote.s32 $0x1  }
0xc1: {  	_ =	sfence.sel $0xFFFF  }
0xc2: {  	[dreg:$0x0] =	wrdreg $0xFFFFFFFF;
	(pc) =	sbr.abs _section_cstart, $3  }
0xc3: {  	[dreg:$0x1] =	wrdreg $0xFFFFFFFF  }
0xc4: {  	_ =	task.clear_ibuf [dreg:s8], $0x2FFFF;
	_ =	strace $0x9FFFFFFF  }
0xc5: {  	(tm) =	ssettm $0x7FFFFFFF  }
tec
execute0_lowered:
.L_overlay_start_1:
0x0: {  	(tag) =	ssettag $0x1  }
0x1: {  	s1 =	rddreg [dreg:$0x0]  }
0x2: {  	s2 =	rddreg [dreg:$0x1]  }
0x3: {  	s0 =	rddreg [dreg:$0x2];
	s4 =	simm.s32 $0x0  }
0x4: {  	[smem:$0x7FF] =	sst s4  }
0x5: {  	s3 =	rddreg [dreg:$0x3];
	v0 =	vimm.s32 $0x0;
	_ =	strace $0x80000047  }
0x6: {  	(xrf0) =	vadd.scan.msk.s32 $0xffff, v0;
	_ =	sdelay $0x5  }
0x7: {  	v0, _, _ =	vpop (xrf0)  }
0x8: {  	(v2sf) =	vpush v0, $0xF;
	_ =	sdelay $0x2  }
0x9: {  	s5 =	srdreg.scid;
	s8 =	stileid.u32  }
0xa: {  	s11 =	simm.s32 $0x3D90;
	s17 =	simm.s32 $0x4000;
	s18 =	simm.s32 $0x1  }
0xb: {  	s19 =	simm.s32 $0x2;
	s20 =	simm.s32 $0x8000;
	s22 =	simm.s32 $0x0  }
0xc: {  	s7 =	sand.u32 $0x1, s5;
	s10 =	smul.u32 $0x3D00, s8;
	s0 =	sadd.s32 $0xA00, s0  }
0xd: {  	p0 =	seq.s32 s8, $0xF;
	s29 =	sor.u32 $0x10, s8;
	s12 =	sshll.u32 s8, $0xD  }
0xe: {  	s14 =	sshll.u32 s8, $0x6;
	s6 =	ssub.s32 $0x2, s7;
	s5 =	smul.u32 $0x3D090, s7  }
0xf: {  	s11 =	simm.s32 @!p0 $0x3D00;
	s7 =	sshll.u32 s7, $0x12;
	s13 =	sshll.u32 s29, $0xD  }
0x10: {  	s15 =	sshll.u32 s29, $0x6;
	s9 =	sshrl.u32 s6, $0x1;
	s12 =	sor.u32 s12, s7  }
0x11: {  	s7 =	sor.u32 s7, s13;
	s9 =	ssub.s32 s6, s9;
	s12 =	sshrl.u32 s12, $0x3  }
0x12: {  	v4 =	vimm.f32 $0.0e+00;
	s26 =	sadd.s32 s10, s5;
	s7 =	sshrl.u32 s7, $0x3;
	s30 =	sadd.s32 s0, s12  }
.Ltmp0:
0x13: {  	v7 =	vmov s8;
	v2 =	vmov s14;
	s0 =	sadd.s32 s0, s7;
	[dreg:$0x7] =	wrdreg s30;
	v0 =	vlaneseq.u32;
	(pc) =	sbr.rel .LBB2_1-.Ltmp0, $4  }
0x14: {  	v8 =	vmov s29;
	v6 =	vmov s11;
	s10 =	sshrl.u32 s26, $0x3;
	s31 =	smax.u32 s9, $0x1;
	[dreg:$0x8] =	wrdreg s0;
	v1 =	vmul.u32 $0xFFFFFFFF, v0  }
0x15: {  	s10 =	sadd.s32 s2, s10;
	[dreg:$0x9] =	wrdreg s31;
	vm0 =	veq.s32 v7, v0;
	vm1 =	vgt.u32 v7, v0;
	v7 =	vor.u32 $0x3D80, v0;
	s6 =	spop (v2sf)  }
0x16: {  	p0 =	sne.s32 s8, $0x0;
	v3 =	vmov s15;
	[dreg:$0x5] =	wrdreg s10;
	v5 =	vor.u32 $0x10, v0;
	vm2 =	vgt.u32 v6, v7;
	s28 =	sadd.s32 s6, s5  }
0x17: {  	s13 =	simm.s32 $0xC000;
	s12 =	simm.s32 $0x3;
	vm3 =	veq.s32 v8, v5;
	vm4 =	vgt.u32 v8, v5;
	v1 =	vadd.s32 s11, v1;
	[dreg:$0x6] =	wrdreg s28  }
.LBB2_30:
0x18: {  	_ =	strace $0x9000004A  }
0x19: {  	_ =	strace $0x8000004B  }
0x1a: {  	s0 =	rddreg [dreg:$0x7]  }
0x1b: {  	[hbm4b:s0+s4] =	stream.linear.scatter [tilespmem:s20], [sflag:$0x3], $0x2000, $0x200038;
	[tilespmem:$0xC188] =	vst v63  }
0x1c: {  	_ =	swait.ge [sflag:s12], $0x2000  }
0x1d: {  	[sflag:s12] =	ssyncset.done $0x0  }
0x1e: {  	s7 =	simm.s32 $0xA000;
	s30 =	rddreg [dreg:$0x8];
	[sflag:s12] =	ssyncadd.s32 $0xFFFFE000  }
0x1f: {  	[hbm4b:s30+s4] =	stream.linear.scatter [tilespmem:s7], [sflag:$0x3], $0x2000, $0x200038;
	[tilespmem:$0xC188] =	vst v63  }
0x20: {  	_ =	swait.ge [sflag:s12], $0x2000  }
0x21: {  	s22 =	sadd.s32 $0x1, s22;
	s31 =	rddreg [dreg:$0x9]  }
0x22: {  	p1 =	sne.s32 s22, s31  }
.Ltmp1:
0x23: {  	_ = 	snop;
	(pc) =	sbr.rel @!p1 .LBB2_31-.Ltmp1, $4  }
0x24: {  	_ = 	snop  }
0x25: {  	[sflag:s12] =	ssyncset.done $0x0  }
0x26: {  	[sflag:s12] =	ssyncadd.s32 $0xFFFFE000  }
0x27: {  	_ =	strace $0x9000004B  }
.LBB2_1:
0x28: {  	s0 =	simm.s32 $0x8040  }
0x29: {  	[tilespmem:s0+$0xFFFFFFC0] =	vst v4  }
0x2a: {  	[tilespmem:s0+$0x30] =	vst v4  }
0x2b: {  	[tilespmem:s0+$0x20] =	vst v4  }
0x2c: {  	[tilespmem:s0+$0x10] =	vst v4  }
0x2d: {  	[tilespmem:s0+$0x0] =	vst v4  }
0x2e: {  	[tilespmem:s0+$0xFFFFFFF0] =	vst v4  }
0x2f: {  	s7 =	simm.s32 $0x0;
	[tilespmem:s0+$0xFFFFFFE0] =	vst v4  }
.LBB2_2:
0x30: {  	s7 =	sadd.s32 $0x8, s7;
	[tilespmem:s0+$0xFFFFFFD0] =	vst v4;
	s0 =	sadd.s32 $0x80, s0  }
0x31: {  	[tilespmem:s0+$0xFFFFFFC0] =	vst v4;
	p1 =	slt.u32 s7, $0x3F8  }
0x32: {  	[tilespmem:s0+$0x30] =	vst v4  }
.Ltmp2:
0x33: {  	[tilespmem:s0+$0x20] =	vst v4;
	(pc) =	sbr.rel @p1 .LBB2_2-.Ltmp2, $4  }
0x34: {  	[tilespmem:s0+$0x10] =	vst v4  }
0x35: {  	[tilespmem:s0+$0x0] =	vst v4  }
0x36: {  	[tilespmem:s0+$0xFFFFFFF0] =	vst v4  }
0x37: {  	[tilespmem:s0+$0xFFFFFFE0] =	vst v4  }
0x38: {  	[tilespmem:s0+$0xFFFFFFD0] =	vst v4  }
0x39: {  	[tilespmem:$0xC000] =	vst v4  }
0x3a: {  	[tilespmem:$0xC080] =	vst v0  }
0x3b: {  	[tilespmem:$0xC100] =	vst v4  }
0x3c: {  	[tilespmem:$0xC010] =	vst v4  }
0x3d: {  	[tilespmem:$0xC090] =	vst v5  }
0x3e: {  	s0 =	simm.s32 @!p0 $0xC100;
	[tilespmem:$0xC110] =	vst v4  }
0x3f: {  	[spmem:s3] =	stream.linear.scatter @!p0 [tilespmem:s0], [sflag:$0x3], $0x80, $0x38;
	[tilespmem:$0xC188] =	vst v63  }
0x40: {  	s0 =	simm.s32 @!p0 $0x3  }
0x41: {  	_ =	swait.ge @!p0 [sflag:s0], $0x80  }
0x42: {  	[sflag:s0] =	ssyncset.done @!p0 $0x0  }
0x43: {  	[sflag:s0] =	ssyncadd.s32 @!p0 $0xFFFFFF80  }
0x44: {  	_ =	strace $0x80000048  }
0x45: {  	s15 =	rddreg [dreg:$0x5]  }
0x46: {  	[tilespmem:s4], [sflag:$0x3] =	stream.linear.gather [hbm4b:s15+s4], $0x3D90, $0x200038;
	[tilespmem:$0xC188] =	vst v63  }
0x47: {  	_ =	swait.ge [sflag:s12], $0x3D90  }
0x48: {  	[sflag:s12] =	ssyncset.done $0x0  }
0x49: {  	s16 =	simm.s32 $0x20;
	[sflag:s12] =	ssyncadd.s32 $0xFFFFC270  }
0x4a: {  	v6 =	vld [tilespmem:s16+$0x0]  }
0x4b: {  	v7 =	vld [tilespmem:s16+$0xFFFFFFF0];
	_ =	sdelay $0x2  }
0x4c: {  	s7 =	simm.s32 $0x10;
	v8 =	vmov s16;
	v9 =	vld [tilespmem:s16+$0xFFFFFFE0]  }
0x4d: {  	s21 =	simm.s32 $0x50;
	v10 =	vmov s7;
	vm5 =	vlt.u32 v8, v1;
	v19 =	vshrl.u32 v6, $0x6  }
0x4e: {  	vm6 =	vlt.u32 v10, v1;
	v8 =	vld [tilespmem:s21+$0x0];
	v22 =	vshrl.u32 v7, $0x6;
	(xrf1) =	vunique.msk.u32 vm5, v19  }
0x4f: {  	s23 =	simm.s32 $0x0;
	(xrf1) =	vunique.msk.u32 vm6, v22  }
0x50: {  	v7 =	vmov s23  }
0x51: {  	v6 =	vshrl.u32 v9, $0x6;
	vm5 =	vlt.u32 v7, v1  }
0x52: {  	v10 =	vld [tilespmem:s21+$0xFFFFFFF0];
	v9 =	vmov s21;
	(xrf1) =	vunique.msk.u32 vm5, v6  }
0x53: {  	v7 =	vshrl.u32 v8, $0x6;
	vm5 =	vlt.u32 v9, v1  }
0x54: {  	(xrf1) =	vunique.msk.u32 vm5, v7;
	_ =	sdelay $0x1  }
0x55: {  	s24 =	simm.s32 $0x40;
	s25 =	simm.s32 $0x80;
	v9 =	vld [tilespmem:s21+$0xFFFFFFE0]  }
0x56: {  	v11 =	vmov s24;
	v8 =	vshrl.u32 v10, $0x6;
	v10 =	vld [tilespmem:s25+$0x0]  }
0x57: {  	s26 =	simm.s32 $0x30;
	vm6 =	vlt.u32 v11, v1;
	v11 =	vld [tilespmem:s25+$0xFFFFFFF0]  }
0x58: {  	s28 =	simm.s32 $0xB0;
	v13 =	vmov s26;
	v12 =	vld [tilespmem:s25+$0xFFFFFFE0]  }
0x59: {  	s8 =	simm.s32 $0x70;
	vm5 =	vlt.u32 v13, v1;
	v13 =	vld [tilespmem:s28+$0x0]  }
0x5a: {  	s31 =	simm.s32 $0x90;
	v14 =	vmov s25;
	v15 =	vmov s8;
	v18 =	vld [tilespmem:s28+$0xFFFFFFF0];
	(xrf1) =	vunique.msk.u32 vm6, v8;
	v9 =	vshrl.u32 v9, $0x6  }
0x5b: {  	s29 =	simm.s32 $0x60;
	v24 =	vmov s31;
	v20 =	vld [tilespmem:s28+$0xFFFFFFE0];
	v10 =	vshrl.u32 v10, $0x6;
	_, v16, vm6 =	vpop (xrf1);
	(xrf1) =	vunique.msk.u32 vm5, v9;
	vm5 =	vlt.u32 v14, v1  }
0x5c: {  	vm7 =	vlt.u32 v15, v1;
	v11 =	vshrl.u32 v11, $0x6;
	v14 =	vmov s29;
	_, v21, vm8 =	vpop (xrf1);
	(xrf1) =	vunique.msk.u32 vm5, v10  }
0x5d: {  	s30 =	simm.s32 $0xA0;
	v12 =	vshrl.u32 v12, $0x6;
	vm5 =	vlt.u32 v14, v1;
	v14 =	vmov s28;
	(xrf1) =	vunique.msk.u32 vm7, v11  }
0x5e: {  	v15 =	vmov s30;
	v13 =	vshrl.u32 v13, $0x6;
	vm7 =	vlt.u32 v14, v1;
	(xrf1) =	vunique.msk.u32 vm5, v12  }
0x5f: {  	vm9 =	vlt.u32 v15, v1;
	v23 =	vcvt.s32.f32 v16;
	v14 =	vshrl.u32 v18, $0x6;
	_, v25, vm5 =	vpop (xrf1);
	(xrf1) =	vunique.msk.u32 vm7, v13  }
0x60: {  	v15 =	vshrl.u32 v20, $0x6;
	vm7 =	vlt.u32 v24, v1;
	(xrf1) =	vunique.msk.u32 vm9, v14  }
0x61: {  	v26 =	vcvt.s32.f32 v21;
	[tilespmem:v19+s13+$0x0] =	vst.idx.add.f32.msk vm6, v23;
	_, v21, vm6 =	vpop (xrf1);
	(xrf1) =	vunique.msk.u32 vm7, v15;
	_ =	sdelay $0x1  }
0x62: {  	s0 =	simm.s32 $0xE0  }
0x63: {  	v16 =	vld [tilespmem:s0+$0xFFFFFFE0];
	_ =	sdelay $0x1  }
0x64: {  	v17 =	vld [tilespmem:s0+$0x0]  }
0x65: {  	v18 =	vld [tilespmem:s0+$0xFFFFFFF0];
	v20 =	vcvt.s32.f32 v25  }
0x66: {  	s7 =	simm.s32 $0xC;
	s8 =	simm.s32 $0xE0;
	_, v19, vm7 =	vpop (xrf1);
	[tilespmem:v22+s13+$0x0] =	vst.idx.add.f32.msk vm8, v26  }
.LBB2_4:
0x67: {  	s7 =	sadd.s32 $0x3, s7;
	v22 =	vmov s0;
	v26 =	vcvt.s32.f32 v21;
	[tilespmem:v6+s13+$0x0] =	vst.idx.add.f32.msk vm5, v20;
	_, v20, vm5 =	vpop (xrf1);
	v23 =	vmov v16  }
0x68: {  	s9 =	sadd.s32 $0xFFFFFFF0, s0;
	s8 =	sadd.s32 $0x30, s8;
	v24 =	vmovc v11;
	v11 =	vmovc v14;
	v6 =	vmov v9;
	v9 =	vmov v12;
	v12 =	vmov v15;
	p1 =	slt.u32 s7, $0x3D5  }
.Ltmp3:
0x69: {  	s10 =	sadd.s32 $0xFFFFFFE0, s0;
	v16 =	vld [tilespmem:s8+$0xFFFFFFE0];
	v15 =	vmov s9;
	v25 =	vshrl.u32 v17, $0x6;
	vm8 =	vlt.u32 v22, v1;
	(pc) =	sbr.rel @p1 .LBB2_4-.Ltmp3, $4  }
0x6a: {  	v22 =	vmov s10;
	v17 =	vld [tilespmem:s8+$0x0];
	v14 =	vshrl.u32 v18, $0x6;
	vm9 =	vlt.u32 v15, v1;
	(xrf1) =	vunique.msk.u32 vm8, v25  }
0x6b: {  	v15 =	vshrl.u32 v23, $0x6;
	vm8 =	vlt.u32 v22, v1;
	v22 =	vcvt.s32.f32 v19;
	v18 =	vld [tilespmem:s8+$0xFFFFFFF0];
	(xrf1) =	vunique.msk.u32 vm9, v14  }
0x6c: {  	v20 =	vcvt.s32.f32 v20;
	(xrf1) =	vunique.msk.u32 vm8, v15;
	[tilespmem:v7+s13+$0x0] =	vst.idx.add.f32.msk vm6, v26;
	_, v21, vm6 =	vpop (xrf1);
	v7 =	vmov v10  }
0x6d: {  	s0 =	sadd.s32 $0x30, s0;
	v10 =	vmov v13;
	v13 =	vmov v25;
	[tilespmem:v8+s13+$0x0] =	vst.idx.add.f32.msk vm7, v22;
	_, v19, vm7 =	vpop (xrf1);
	v8 =	vmov v24  }
0x6e: {  	s7 =	sadd.s32 $0xFFFFFFF0, s0;
	v22 =	vmov s0  }
0x6f: {  	s24 =	sadd.s32 $0xFFFFFFE0, s0;
	v23 =	vmov s7;
	v17 =	vshrl.u32 v17, $0x6;
	vm8 =	vlt.u32 v22, v1  }
0x70: {  	v58 =	vmov s24;
	v18 =	vshrl.u32 v18, $0x6;
	vm9 =	vlt.u32 v23, v1;
	(xrf1) =	vunique.msk.u32 vm8, v17  }
0x71: {  	v16 =	vshrl.u32 v16, $0x6;
	vm12 =	vlt.u32 v58, v1;
	(xrf1) =	vunique.msk.u32 vm9, v18  }
0x72: {  	(xrf1) =	vunique.msk.u32 vm12, v16;
	_ =	sdelay $0x4  }
0x73: {  	[tilespmem:v6+s13+$0x0] =	vst.idx.add.f32.msk vm5, v20;
	v6 =	vcvt.s32.f32 v19;
	_, v22, vm13 =	vpop (xrf1)  }
0x74: {  	_, v23, vm14 =	vpop (xrf1)  }
0x75: {  	v21 =	vcvt.s32.f32 v21;
	[tilespmem:v8+s13+$0x0] =	vst.idx.add.f32.msk vm7, v6;
	_, v24, vm10 =	vpop (xrf1);
	v6 =	vcvt.s32.f32 v23  }
0x76: {  	_, v59, vm5 =	vpop (xrf1)  }
0x77: {  	[tilespmem:v7+s13+$0x0] =	vst.idx.add.f32.msk vm6, v21;
	v7 =	vcvt.s32.f32 v22;
	_, v60, vm6 =	vpop (xrf1)  }
0x78: {  	_, v8, vm7 =	vpop (xrf1)  }
0x79: {  	[tilespmem:v9+s13+$0x0] =	vst.idx.add.f32.msk vm13, v7;
	v7 =	vcvt.s32.f32 v24;
	_, v9, vm8 =	vpop (xrf1)  }
0x7a: {  	v19 =	vcvt.s32.f32 v59;
	[tilespmem:v10+s13+$0x0] =	vst.idx.add.f32.msk vm14, v6;
	_, v6, vm9 =	vpop (xrf1)  }
0x7b: {  	[tilespmem:v11+s13+$0x0] =	vst.idx.add.f32.msk vm10, v7;
	v7 =	vcvt.s32.f32 v60;
	_, v61, vm15 =	vpop (xrf1)  }
0x7c: {  	v8 =	vcvt.s32.f32 v8;
	[tilespmem:v12+s13+$0x0] =	vst.idx.add.f32.msk vm5, v19;
	_, v62, vm5 =	vpop (xrf1)  }
0x7d: {  	[tilespmem:v13+s13+$0x0] =	vst.idx.add.f32.msk vm6, v7;
	v7 =	vcvt.s32.f32 v9  }
0x7e: {  	[tilespmem:v14+s13+$0x0] =	vst.idx.add.f32.msk vm7, v8;
	v6 =	vcvt.s32.f32 v6  }
0x7f: {  	[tilespmem:v15+s13+$0x0] =	vst.idx.add.f32.msk vm8, v7;
	v7 =	vcvt.s32.f32 v61  }
0x80: {  	v63 =	vcvt.s32.f32 v62;
	[tilespmem:v17+s13+$0x0] =	vst.idx.add.f32.msk vm9, v6  }
0x81: {  	[tilespmem:v18+s13+$0x0] =	vst.idx.add.f32.msk vm15, v7  }
0x82: {  	[tilespmem:v16+s13+$0x0] =	vst.idx.add.f32.msk vm5, v63  }
0x83: {  	v6 =	vld [tilespmem:$0x3D80];
	_ =	sdelay $0x4  }
0x84: {  	v6 =	vshrl.u32 v6, $0x6  }
0x85: {  	(xrf1) =	vunique.msk.u32 vm2, v6;
	_ =	sdelay $0xd  }
0x86: {  	_, v7, vm5 =	vpop (xrf1);
	_ =	sdelay $0x3  }
0x87: {  	v7 =	vcvt.s32.f32 v7;
	_ =	sdelay $0x1  }
0x88: {  	[tilespmem:v6+s13+$0x0] =	vst.idx.add.f32.msk vm5, v7  }
0x89: {  	_ =	strace $0x90000048  }
0x8a: {  	_ =	strace $0x80000049  }
0x8b: {  	s25 =	simm.s32 $0x20;
	s26 =	simm.s32 $0xC080;
	[bflag:$0x0] =	sbarrier.arrive $0xFFFF  }
0x8c: {  	[spmem:s3] =	stream.indirect.scatter.add.f32 [tilespmem:s13], [sflag:$0x3], $0x1, s26, s25, $0x2000b8;
	[tilespmem:$0xC188] =	vst v63  }
0x8d: {  	_ =	swait.ge [sflag:s12], $0x20  }
0x8e: {  	[sflag:s12] =	ssyncset.done $0x0  }
0x8f: {  	[sflag:s12] =	ssyncadd.s32 $0xFFFFFFE0  }
0x90: {  	s28 =	simm.s32 $0xC100;
	[bflag:$0x0] =	sbarrier.arrive $0xFFFF  }
0x91: {  	[tilespmem:s28], [sflag:$0x3] =	stream.linear.gather [spmem:s3], $0x80, $0x200038;
	[tilespmem:$0xC188] =	vst v63  }
0x92: {  	_ =	swait.ge [sflag:s12], $0x80  }
0x93: {  	[sflag:s12] =	ssyncset.done $0x0  }
0x94: {  	[sflag:s12] =	ssyncadd.s32 $0xFFFFFF80  }
0x95: {  	_ =	strace $0x90000049  }
0x96: {  	_ =	strace $0x8000004A  }
0x97: {  	v6 =	vld [tilespmem:$0xC100];
	_ =	sdelay $0x4  }
0x98: {  	v6 =	vtrunc.f32 v6  }
0x99: {  	v6 =	vcvt.f32.s32 v6;
	_ =	sdelay $0x1  }
0x9a: {  	v7 =	vnsel vm1, $0x0, v6  }
0x9b: {  	v6 =	vnsel vm0, $0x0, v6;
	(xrf0) =	vadd.scan.msk.s32 $0xffff, v7  }
0x9c: {  	(xrf0) =	vadd.scan.msk.s32 $0xffff, v6;
	_ =	sdelay $0x4  }
0x9d: {  	v6, _, _ =	vpop (xrf0)  }
0x9e: {  	(v2sf) =	vpush v6, $0xF;
	v6, _, _ =	vpop (xrf0)  }
0x9f: {  	(v2sf) =	vpush v6, $0xF;
	_ =	sdelay $0xd  }
0xa0: {  	s29 =	spop (v2sf)  }
0xa1: {  	s8 =	rddreg [dreg:$0x6];
	s30 =	spop (v2sf)  }
0xa2: {  	s23 =	sadd.s32 s29, s8;
	s7 =	sadd.s32 s6, s30  }
0xa3: {  	s24 =	sadd.s32 s7, s23  }
0xa4: {  	s31 =	sadd.s32 $0xFFFFFFFF, s24  }
0xa5: {  	s25 =	sshrl.u32 s23, $0xE;
	s0 =	sshrl.u32 s31, $0xE  }
0xa6: {  	p1 =	slt.s32 s7, $0x1;
	s26 =	ssub.s32 s0, s25  }
0xa7: {  	p2 =	slt.s32 @!p1 s26, $0x0  }
0xa8: {  	p1 =	por p1, p2  }
.Ltmp4:
0xa9: {  	_ = 	snop;
	(pc) =	sbr.rel @p1 .LBB2_14-.Ltmp4, $1  }
0xaa: {  	_ =	sdelay $0x3  }
.Ltmp5:
0xab: {  	(pc) =	sbr.rel .LBB2_7-.Ltmp5, $3  }
0xac: {  	_ =	sdelay $0x1  }
0xad: {  	s28 =	sand.u32 $0xFFFFC000, s23  }
0xae: {  	s30 =	simm.s32 $0x0;
	s29 =	sadd.s32 $0x4000, s28  }
.LBB2_13:
0xaf: {  	p1 =	sgt.s32 s26, s30  }
.Ltmp6:
0xb0: {  	_ = 	snop;
	(pc) =	sbr.rel @!p1 .LBB2_14-.Ltmp6, $3  }
0xb1: {  	_ =	sdelay $0x1  }
0xb2: {  	s0 =	sadd.s32 $0x1, s30  }
0xb3: {  	s28 =	sadd.s32 $0x4000, s28;
	s29 =	sadd.s32 $0x4000, s29;
	s30 =	smov.u32 s0  }
.LBB2_7:
0xb4: {  	s0 =	sadd.s32 s25, s30  }
0xb5: {  	s0 =	sshll.u32 s0, $0xE  }
0xb6: {  	p1 =	slt.s32 s0, $0x76120;
	s7 =	smov.u32 s0  }
0xb7: {  	s7 =	simm.s32 @!p1 $0x76120  }
0xb8: {  	s8 =	sshrl.u32 s7, $0x3  }
0xb9: {  	s9 =	sadd.s32 s1, s8  }
0xba: {  	[tilespmem:s17], [sflag:$0x1] =	stream.linear.gather [hbm4b:s9+s4], $0x4000, $0x200038;
	[tilespmem:$0xC188] =	vst v63  }
0xbb: {  	s9 =	sadd.s32 $0x4000, s0  }
0xbc: {  	s10 =	smov.u32 s24;
	p1 =	slt.s32 s9, s24  }
0xbd: {  	s21 =	smov.u32 s23;
	p2 =	sgt.s32 s0, s23;
	s10 =	smov.u32 @p1 s9  }
0xbe: {  	s21 =	smov.u32 @p2 s0;
	s9 =	ssub.s32 s10, s7  }
0xbf: {  	s7 =	ssub.s32 s21, s7;
	s0 =	sadd.s32 $0xF, s9  }
0xc0: {  	s7 =	sshrl.u32 s7, $0x4;
	s15 =	sshrl.u32 s0, $0x4  }
0xc1: {  	s0 =	ssub.s32 s15, s7  }
0xc2: {  	s11 =	smulhi.u32 $0x55555556, s0;
	s14 =	sshra.s32 s0, $0x1F  }
0xc3: {  	s8 =	sadd.s32 s2, s8;
	s14 =	smul.u32 $0x55555556, s14  }
0xc4: {  	[tilespmem:s4], [sflag:$0x2] =	stream.linear.gather [hbm4b:s8+s4], $0x4000, $0x200038;
	[tilespmem:$0xC188] =	vst v63  }
0xc5: {  	s16 =	sadd.s32 s14, s11  }
0xc6: {  	s9 =	sshrl.u32 s16, $0x1F  }
0xc7: {  	s8 =	sadd.s32 s9, s16  }
0xc8: {  	s16 =	smul.u32 $0x3, s8;
	_ =	sdelay $0x1  }
0xc9: {  	_ =	swait.ge [sflag:s18], $0x4000;
	p2 =	slt.s32 s16, $0x1  }
.Ltmp7:
0xca: {  	[sflag:s18] =	ssyncset.done $0x0;
	(pc) =	sbr.rel @p2 .LBB2_10-.Ltmp7, $4  }
0xcb: {  	[sflag:s18] =	ssyncadd.s32 $0xFFFFC000  }
0xcc: {  	_ =	swait.ge [sflag:s19], $0x4000  }
0xcd: {  	p1 =	slt.s32 s28, $0x76120;
	[sflag:s19] =	ssyncset.done $0x0;
	s14 =	smov.u32 s28  }
0xce: {  	v6 =	vmov s21;
	v7 =	vmov s10;
	[sflag:s19] =	ssyncadd.s32 $0xFFFFC000;
	s14 =	simm.s32 @!p1 $0x76120;
	s31 =	sadd.s32 s7, s16  }
0xcf: {  	p1 =	sgt.s32 s28, s23;
	s8 =	smov.u32 s23  }
0xd0: {  	s8 =	smov.u32 @p1 s28  }
0xd1: {  	s8 =	ssub.s32 s8, s14  }
0xd2: {  	s9 =	sshll.u32 s8, $0x2  }
0xd3: {  	s9 =	sshra.s32 s9, $0x2  }
0xd4: {  	s9 =	sand.u32 $0xFFFFFFF0, s9  }
0xd5: {  	s10 =	sadd.s32 $0x10, s9  }
0xd6: {  	s8 =	sand.u32 $0xFFFFFFF0, s8;
	v8 =	vld [tilespmem:s10+$0x0]  }
0xd7: {  	s21 =	sadd.s32 s8, s14;
	s8 =	sadd.s32 $0x3, s7;
	s9 =	sadd.s32 $0x4010, s9  }
0xd8: {  	p3 =	slt.s32 s8, s31;
	v9 =	vld [tilespmem:s9+$0x0]  }
.Ltmp8:
0xd9: {  	_ = 	snop;
	(pc) =	sbr.rel @!p3 .LBB2_9-.Ltmp8, $4  }
0xda: {  	v12 =	vld [tilespmem:s10+$0xFFFFFFF0]  }
0xdb: {  	v11 =	vld [tilespmem:s10+$0x10];
	v8 =	vsub.s32 v8, v2  }
0xdc: {  	v18 =	vor.u32 s21, v0;
	s11 =	sadd.s32 $0x10, s21;
	v13 =	vld [tilespmem:s9+$0xFFFFFFF0];
	v8 =	vshll.u32 v8, $0x7  }
0xdd: {  	p2 =	por $0x0, $0x0;
	p1 =	por $0x0, $0x0;
	vm5 =	vge.s32 v18, v6;
	v16 =	vor.u32 s11, v0;
	v15 =	vld [tilespmem:s9+$0x10];
	s7 =	sadd.s32 $0x30, s10;
	v8 =	vadd.s32 v9, v8  }
0xde: {  	vm6 =	vlt.s32 v18, v7  }
0xdf: {  	vm7 =	vge.s32 v16, v6;
	vm8 =	vlt.s32 v16, v7;
	v9 =	vsub.s32 v12, v2  }
0xe0: {  	s10 =	sadd.s32 $0x20, s21;
	vm5 =	vmand vm5, vm6;
	v10 =	vsub.s32 v11, v2;
	v9 =	vshll.u32 v9, $0x7  }
0xe1: {  	v11 =	vshll.u32 v10, $0x7;
	v10 =	vadd.s32 v13, v9;
	v13 =	vor.u32 s10, v0  }
0xe2: {  	vm6 =	vmand vm7, vm8;
	vm7 =	vge.s32 v13, v6;
	vm15 =	vlt.s32 v13, v7;
	(xrf1) =	vunique.msk.u32 vm5, v10  }
0xe3: {  	v9 =	vadd.s32 v15, v11;
	vm5 =	vmand vm7, vm15;
	(xrf1) =	vunique.msk.u32 vm6, v8  }
0xe4: {  	(xrf1) =	vunique.msk.u32 vm5, v9;
	_ =	sdelay $0x4  }
0xe5: {  	v14 =	vld [tilespmem:s7+$0x0]  }
0xe6: {  	s9 =	sadd.s32 $0x30, s9;
	s8 =	sadd.s32 $0x3, s8  }
0xe7: {  	v17 =	vld [tilespmem:s9+$0x0];
	p3 =	slt.s32 s8, s31  }
.Ltmp9:
0xe8: {  	_ = 	snop;
	(pc) =	sbr.rel @!p3 .LBB2_20-.Ltmp9, $4  }
0xe9: {  	v12 =	vld [tilespmem:s7+$0xFFFFFFF0]  }
0xea: {  	s21 =	sadd.s32 $0x30, s21;
	v11 =	vld [tilespmem:s7+$0x10];
	v14 =	vsub.s32 v14, v2  }
0xeb: {  	v18 =	vor.u32 s21, v0;
	s11 =	sadd.s32 $0x10, s21;
	v13 =	vld [tilespmem:s9+$0xFFFFFFF0];
	v14 =	vshll.u32 v14, $0x7  }
0xec: {  	p1 =	por $0x1, $0x1;
	v16 =	vor.u32 s11, v0;
	s10 =	sadd.s32 $0x30, s7;
	v15 =	vld [tilespmem:s9+$0x10];
	vm5 =	vge.s32 v18, v6;
	v17 =	vadd.s32 v17, v14  }
0xed: {  	vm6 =	vlt.s32 v18, v7  }
0xee: {  	vm7 =	vge.s32 v16, v6;
	vm8 =	vlt.s32 v16, v7;
	v12 =	vsub.s32 v12, v2  }
0xef: {  	s11 =	sadd.s32 $0x20, s21;
	vm5 =	vmand vm5, vm6;
	vm6 =	vmand vm7, vm8;
	v12 =	vshll.u32 v12, $0x7  }
0xf0: {  	v14 =	vld [tilespmem:s10+$0x0];
	v11 =	vsub.s32 v11, v2;
	v20 =	vadd.s32 v13, v12;
	v13 =	vor.u32 s11, v0  }
0xf1: {  	s7 =	sadd.s32 $0x30, s9;
	s8 =	sadd.s32 $0x3, s8;
	v11 =	vshll.u32 v11, $0x7;
	vm7 =	vge.s32 v13, v6;
	vm8 =	vlt.s32 v13, v7;
	(xrf1) =	vunique.msk.u32 vm5, v20  }
0xf2: {  	v21 =	vld [tilespmem:s7+$0x0];
	p3 =	slt.s32 s8, s31;
	v19 =	vadd.s32 v15, v11;
	vm5 =	vmand vm7, vm8;
	(xrf1) =	vunique.msk.u32 vm6, v17  }
.Ltmp10:
0xf3: {  	v12 =	vld [tilespmem:s10+$0xFFFFFFF0];
	(xrf1) =	vunique.msk.u32 vm5, v19;
	(pc) =	sbr.rel @!p3 .LBB2_22-.Ltmp10, $4  }
0xf4: {  	v11 =	vld [tilespmem:s10+$0x10]  }
0xf5: {  	s21 =	sadd.s32 $0x30, s21;
	v13 =	vld [tilespmem:s7+$0xFFFFFFF0];
	v14 =	vsub.s32 v14, v2  }
0xf6: {  	v18 =	vor.u32 s21, v0;
	s11 =	sadd.s32 $0x10, s21;
	v15 =	vld [tilespmem:s7+$0x10];
	v14 =	vshll.u32 v14, $0x7  }
0xf7: {  	s9 =	sadd.s32 $0x30, s10;
	p2 =	por $0x1, $0x1;
	v16 =	vor.u32 s11, v0;
	vm5 =	vge.s32 v18, v6;
	v14 =	vadd.s32 v21, v14;
	_, v21, vm6 =	vpop (xrf1)  }
.LBB2_23:
0xf8: {  	v22 =	vld [tilespmem:s9+$0x0];
	s8 =	sadd.s32 $0x3, s8;
	v12 =	vsub.s32 v12, v2;
	vm8 =	vlt.s32 v18, v7;
	vm9 =	vge.s32 v16, v6;
	s7 =	sadd.s32 $0x30, s7;
	_, v18, vm7 =	vpop (xrf1)  }
0xf9: {  	v11 =	vsub.s32 v11, v2;
	s10 =	sadd.s32 $0x20, s21;
	v21 =	vcvt.s32.f32 v21;
	v23 =	vld [tilespmem:s7+$0x0];
	p3 =	slt.s32 s8, s31;
	v24 =	vshll.u32 v12, $0x7;
	_, v25, vm10 =	vpop (xrf1)  }
0xfa: {  	v18 =	vcvt.s32.f32 v18;
	v12 =	vld [tilespmem:s9+$0xFFFFFFF0];
	v24 =	vadd.s32 v13, v24;
	v13 =	vshll.u32 v11, $0x7  }
0xfb: {  	vm11 =	vlt.s32 v16, v7;
	v16 =	vor.u32 s10, v0;
	v11 =	vld [tilespmem:s9+$0x10];
	v15 =	vadd.s32 v15, v13  }
0xfc: {  	s21 =	sadd.s32 $0x30, s21;
	vm5 =	vmand vm5, vm8;
	vm8 =	vmand vm9, vm11;
	vm9 =	vge.s32 v16, v6;
	v13 =	vld [tilespmem:s7+$0xFFFFFFF0]  }
.Ltmp11:
0xfd: {  	vm11 =	vlt.s32 v16, v7;
	v16 =	vcvt.s32.f32 v25;
	(xrf1) =	vunique.msk.u32 vm5, v24;
	[tilespmem:v10+s20+$0x0] =	vst.idx.add.f32.msk vm6, v21;
	v10 =	vmovc v20;
	(pc) =	sbr.rel @p3 .LBB2_23-.Ltmp11, $4  }
0xfe: {  	vm5 =	vmand vm9, vm11;
	v20 =	vmovc v24;
	(xrf1) =	vunique.msk.u32 vm8, v14;
	[tilespmem:v8+s20+$0x0] =	vst.idx.add.f32.msk vm7, v18;
	v8 =	vmov v17  }
0xff: {  	v22 =	vsub.s32 v22, v2;
	(xrf1) =	vunique.msk.u32 vm5, v15;
	[tilespmem:v9+s20+$0x0] =	vst.idx.add.f32.msk vm10, v16;
	v9 =	vmovc v19;
	v19 =	vmov v15  }
0x100: {  	s10 =	sadd.s32 $0x10, s21;
	v18 =	vor.u32 s21, v0;
	v17 =	vmov v14;
	v16 =	vshll.u32 v22, $0x7;
	v15 =	vld [tilespmem:s7+$0x10]  }
0x101: {  	s9 =	sadd.s32 $0x30, s9;
	vm5 =	vge.s32 v18, v6;
	v14 =	vadd.s32 v23, v16;
	v16 =	vor.u32 s10, v0;
	_, v21, vm6 =	vpop (xrf1)  }
0x102: {  	v22 =	vmov v10  }
0x103: {  	v23 =	vmovc v8;
	v24 =	vmovc v9;
	v10 =	vmov v20;
	v8 =	vmov v17;
	v9 =	vmov v19  }
.LBB2_25:
0x104: {  	v12 =	vsub.s32 v12, v2  }
0x105: {  	vm7 =	vlt.s32 v18, v7;
	v11 =	vsub.s32 v11, v2;
	vm8 =	vge.s32 v16, v6  }
0x106: {  	s7 =	sadd.s32 $0x20, s21;
	vm9 =	vlt.s32 v16, v7;
	v12 =	vshll.u32 v12, $0x7;
	v11 =	vshll.u32 v11, $0x7  }
0x107: {  	v60 =	vor.u32 s7, v0;
	vm5 =	vmand vm5, vm7;
	v12 =	vadd.s32 v13, v12  }
0x108: {  	vm7 =	vmand vm8, vm9;
	vm14 =	vge.s32 v60, v6;
	vm15 =	vlt.s32 v60, v7;
	(xrf1) =	vunique.msk.u32 vm5, v12  }
0x109: {  	v11 =	vadd.s32 v15, v11;
	vm5 =	vmand vm14, vm15;
	(xrf1) =	vunique.msk.u32 vm7, v14  }
0x10a: {  	(xrf1) =	vunique.msk.u32 vm5, v11;
	_ =	sdelay $0x5  }
0x10b: {  	_, v13, vm5 =	vpop @p2 (xrf1)  }
0x10c: {  	v17 =	vcvt.s32.f32 @p2 v21;
	_, v15, vm7 =	vpop @p2 (xrf1)  }
0x10d: {  	_, v16, vm8 =	vpop @p1 (xrf1)  }
0x10e: {  	vm8 =	vmmov @p1 vm8  }
0x10f: {  	v10 =	vpsel p1, v10, v0;
	_, v18, vm9 =	vpop @p1 (xrf1)  }
0x110: {  	v8 =	vpsel p1, v8, v0;
	v13 =	vcvt.s32.f32 @p2 v13;
	_, v19, vm10 =	vpop @p1 (xrf1)  }
0x111: {  	v9 =	vpsel p1, v9, v0;
	[tilespmem:v22+s20+$0x0] =	vst.idx.add.f32.msk @p2 vm6, v17;
	v15 =	vcvt.s32.f32 @p2 v15;
	v16 =	vpsel p1, v16, v0;
	_, v17, vm6 =	vpop (xrf1)  }
0x112: {  	[tilespmem:v23+s20+$0x0] =	vst.idx.add.f32.msk @p2 vm5, v13;
	v13 =	vcvt.s32.f32 @p1 v16;
	_, v61, vm5 =	vpop (xrf1)  }
0x113: {  	[tilespmem:v24+s20+$0x0] =	vst.idx.add.f32.msk @p2 vm7, v15;
	v15 =	vcvt.s32.f32 @p1 v18;
	_, v62, vm7 =	vpop (xrf1)  }
0x114: {  	[tilespmem:v10+s20+$0x0] =	vst.idx.add.f32.msk @p1 vm8, v13;
	v10 =	vcvt.s32.f32 @p1 v19  }
0x115: {  	[tilespmem:v8+s20+$0x0] =	vst.idx.add.f32.msk @p1 vm9, v15;
	v8 =	vcvt.s32.f32 v17  }
0x116: {  	[tilespmem:v9+s20+$0x0] =	vst.idx.add.f32.msk @p1 vm10, v10;
	v63 =	vcvt.s32.f32 v61  }
0x117: {  	[tilespmem:v12+s20+$0x0] =	vst.idx.add.f32.msk vm6, v8;
	v8 =	vcvt.s32.f32 v62  }
0x118: {  	[tilespmem:v14+s20+$0x0] =	vst.idx.add.f32.msk vm5, v63  }
0x119: {  	[tilespmem:v11+s20+$0x0] =	vst.idx.add.f32.msk vm7, v8  }
.LBB2_10:
0x11a: {  	p1 =	sge.s32 s31, s15  }
.Ltmp12:
0x11b: {  	_ = 	snop;
	(pc) =	sbr.rel @p1 .LBB2_13-.Ltmp12, $1  }
0x11c: {  	_ =	sdelay $0x3  }
0x11d: {  	p1 =	slt.s32 s29, s24;
	s7 =	smov.u32 s24  }
0x11e: {  	s7 =	smov.u32 @p1 s29  }
0x11f: {  	s7 =	ssub.s32 s7, s14  }
0x120: {  	s7 =	sadd.s32 $0xF, s7  }
0x121: {  	s0 =	ssub.s32 s0, s16;
	s8 =	sshll.u32 s7, $0x2  }
0x122: {  	s9 =	sshll.u32 s0, $0x6;
	s8 =	sand.u32 $0xFFFFFFC0, s8  }
0x123: {  	s10 =	sand.u32 $0xFFFFFFF0, s7;
	s16 =	ssub.s32 s8, s9  }
0x124: {  	s31 =	sshll.u32 s0, $0x4;
	s21 =	sadd.s32 s10, s14;
	s7 =	sshra.s32 s16, $0x2  }
0x125: {  	s9 =	ssub.s32 s21, s31;
	s8 =	sadd.s32 $0x4000, s7  }
.LBB2_12:
0x126: {  	v8 =	vld [tilespmem:s7+$0x0];
	_ =	sdelay $0x1  }
0x127: {  	v9 =	vld [tilespmem:s8+$0x0];
	_ =	sdelay $0x2  }
0x128: {  	v10 =	vor.u32 s9, v0;
	v8 =	vsub.s32 v8, v2  }
0x129: {  	vm5 =	vge.s32 v10, v6;
	vm6 =	vlt.s32 v10, v7;
	v8 =	vshll.u32 v8, $0x7  }
0x12a: {  	vm5 =	vmand vm5, vm6;
	v8 =	vadd.s32 v9, v8  }
0x12b: {  	(xrf1) =	vunique.msk.u32 vm5, v8;
	_ =	sdelay $0xd  }
0x12c: {  	_, v63, vm5 =	vpop (xrf1)  }
0x12d: {  	p1 =	sne.s32 s0, $0x1  }
.Ltmp13:
0x12e: {  	_ = 	snop;
	(pc) =	sbr.rel @p1 .LBB2_12-.Ltmp13, $4  }
0x12f: {  	_ = 	snop  }
0x130: {  	v9 =	vcvt.s32.f32 v63  }
0x131: {  	s7 =	sadd.s32 $0x10, s7  }
0x132: {  	s8 =	sadd.s32 $0x10, s8;
	s9 =	sadd.s32 $0x10, s9;
	s0 =	sadd.s32 $0xFFFFFFFF, s0;
	[tilespmem:v8+s20+$0x0] =	vst.idx.add.f32.msk vm5, v9  }
.Ltmp14:
0x133: {  	_ = 	snop;
	(pc) =	sbr.rel .LBB2_13-.Ltmp14, $1  }
0x134: {  	_ =	sdelay $0x3  }
.LBB2_9:
.Ltmp15:
0x135: {  	(pc) =	sbr.rel .LBB2_25-.Ltmp15, $2  }
0x136: {  	_ =	sdelay $0x2  }
0x137: {  	v14 =	vmov v8  }
.LBB2_20:
.Ltmp16:
0x138: {  	(pc) =	sbr.rel .LBB2_25-.Ltmp16, $2  }
0x139: {  	_ =	sdelay $0x2  }
0x13a: {  	v14 =	vmov v17  }
.LBB2_22:
.Ltmp17:
0x13b: {  	(pc) =	sbr.rel .LBB2_25-.Ltmp17, $3  }
0x13c: {  	_ =	sdelay $0x1  }
0x13d: {  	v22 =	vmov v10  }
0x13e: {  	v23 =	vmovc v8;
	v24 =	vmovc v9;
	v10 =	vmov v20;
	v8 =	vmov v17;
	v9 =	vmov v19  }
.LBB2_14:
0x13f: {  	v6 =	vld [tilespmem:$0xC100]  }
0x140: {  	v7 =	vld [tilespmem:$0xC110];
	_ =	sdelay $0x4  }
0x141: {  	v6 =	vtrunc.f32 v6;
	v7 =	vtrunc.f32 v7  }
0x142: {  	v6 =	vcvt.f32.s32 v6;
	v7 =	vcvt.f32.s32 v7;
	_ =	sdelay $0x1  }
0x143: {  	(xrf0) =	vadd.scan.msk.s32 $0xffff, v6;
	v6 =	vnsel vm4, $0x0, v7  }
0x144: {  	(xrf0) =	vadd.scan.msk.s32 $0xffff, v6;
	v6 =	vnsel vm3, $0x0, v7  }
0x145: {  	(xrf0) =	vadd.scan.msk.s32 $0xffff, v6;
	_ =	sdelay $0x3  }
0x146: {  	v6, _, _ =	vpop (xrf0)  }
0x147: {  	v7, _, _ =	vpop (xrf0);
	(v2sf) =	vpush v6, $0xF  }
0x148: {  	(v2sf) =	vpush v7, $0xF;
	v6, _, _ =	vpop (xrf0)  }
0x149: {  	(v2sf) =	vpush v6, $0xF;
	_ =	sdelay $0xc  }
0x14a: {  	s0 =	spop (v2sf)  }
0x14b: {  	s7 =	spop (v2sf)  }
0x14c: {  	s0 =	sadd.s32 s5, s0;
	s8 =	spop (v2sf)  }
0x14d: {  	s23 =	sadd.s32 s7, s0;
	s8 =	sadd.s32 s6, s8  }
0x14e: {  	s24 =	sadd.s32 s8, s23  }
0x14f: {  	s31 =	sadd.s32 $0xFFFFFFFF, s24  }
0x150: {  	s25 =	sshrl.u32 s23, $0xE;
	s0 =	sshrl.u32 s31, $0xE  }
0x151: {  	p1 =	slt.s32 s8, $0x1;
	s26 =	ssub.s32 s0, s25  }
0x152: {  	p2 =	slt.s32 @!p1 s26, $0x0  }
0x153: {  	p1 =	por p1, p2  }
.Ltmp18:
0x154: {  	_ = 	snop;
	(pc) =	sbr.rel @p1 .LBB2_30-.Ltmp18, $1  }
0x155: {  	_ =	sdelay $0x3  }
.Ltmp19:
0x156: {  	(pc) =	sbr.rel .LBB2_16-.Ltmp19, $3  }
0x157: {  	_ =	sdelay $0x1  }
0x158: {  	s28 =	sand.u32 $0xFFFFC000, s23  }
0x159: {  	s30 =	simm.s32 $0x0;
	s29 =	sadd.s32 $0x4000, s28  }
.LBB2_29:
0x15a: {  	p1 =	sgt.s32 s26, s30  }
.Ltmp20:
0x15b: {  	_ = 	snop;
	(pc) =	sbr.rel @!p1 .LBB2_30-.Ltmp20, $3  }
0x15c: {  	_ =	sdelay $0x1  }
0x15d: {  	s0 =	sadd.s32 $0x1, s30  }
0x15e: {  	s28 =	sadd.s32 $0x4000, s28;
	s29 =	sadd.s32 $0x4000, s29;
	s30 =	smov.u32 s0  }
.LBB2_16:
0x15f: {  	s0 =	sadd.s32 s25, s30  }
0x160: {  	s0 =	sshll.u32 s0, $0xE  }
0x161: {  	p1 =	slt.s32 s0, $0x76120;
	s7 =	smov.u32 s0  }
0x162: {  	s7 =	simm.s32 @!p1 $0x76120  }
0x163: {  	s8 =	sshrl.u32 s7, $0x3  }
0x164: {  	s9 =	sadd.s32 s1, s8  }
0x165: {  	[tilespmem:s17], [sflag:$0x1] =	stream.linear.gather [hbm4b:s9+s4], $0x4000, $0x200038;
	[tilespmem:$0xC188] =	vst v63  }
0x166: {  	s9 =	sadd.s32 $0x4000, s0  }
0x167: {  	s10 =	smov.u32 s24;
	p1 =	slt.s32 s9, s24  }
0x168: {  	s21 =	smov.u32 s23;
	p2 =	sgt.s32 s0, s23;
	s10 =	smov.u32 @p1 s9  }
0x169: {  	s21 =	smov.u32 @p2 s0;
	s9 =	ssub.s32 s10, s7  }
0x16a: {  	s7 =	ssub.s32 s21, s7;
	s0 =	sadd.s32 $0xF, s9  }
0x16b: {  	s7 =	sshrl.u32 s7, $0x4;
	s14 =	sshrl.u32 s0, $0x4  }
0x16c: {  	s31 =	ssub.s32 s14, s7  }
0x16d: {  	s11 =	smulhi.u32 $0x55555556, s31;
	s15 =	sshra.s32 s31, $0x1F  }
0x16e: {  	s9 =	smul.u32 $0x55555556, s15;
	_ =	sdelay $0x1  }
0x16f: {  	s0 =	sadd.s32 s9, s11  }
0x170: {  	s16 =	sshrl.u32 s0, $0x1F  }
0x171: {  	s0 =	sadd.s32 s16, s0  }
0x172: {  	s8 =	sadd.s32 s2, s8;
	s15 =	smul.u32 $0x3, s0  }
0x173: {  	[tilespmem:s4], [sflag:$0x2] =	stream.linear.gather [hbm4b:s8+s4], $0x4000, $0x200038;
	[tilespmem:$0xC188] =	vst v63  }
0x174: {  	_ =	swait.ge [sflag:s18], $0x4000;
	p2 =	slt.s32 s15, $0x1  }
.Ltmp21:
0x175: {  	[sflag:s18] =	ssyncset.done $0x0;
	(pc) =	sbr.rel @p2 .LBB2_26-.Ltmp21, $4  }
0x176: {  	[sflag:s18] =	ssyncadd.s32 $0xFFFFC000  }
0x177: {  	_ =	swait.ge [sflag:s19], $0x4000  }
0x178: {  	p1 =	slt.s32 s28, $0x76120;
	[sflag:s19] =	ssyncset.done $0x0;
	s0 =	smov.u32 s28  }
0x179: {  	v6 =	vmov s21;
	v7 =	vmov s10;
	[sflag:s19] =	ssyncadd.s32 $0xFFFFC000;
	s0 =	simm.s32 @!p1 $0x76120;
	s16 =	sadd.s32 s7, s15  }
0x17a: {  	p1 =	sgt.s32 s28, s23;
	s8 =	smov.u32 s23  }
0x17b: {  	s8 =	smov.u32 @p1 s28  }
0x17c: {  	s8 =	ssub.s32 s8, s0  }
0x17d: {  	s9 =	sshll.u32 s8, $0x2  }
0x17e: {  	s9 =	sshra.s32 s9, $0x2  }
0x17f: {  	s9 =	sand.u32 $0xFFFFFFF0, s9  }
0x180: {  	s21 =	sadd.s32 $0x10, s9  }
0x181: {  	s10 =	sadd.s32 $0x4010, s9;
	v8 =	vld [tilespmem:s21+$0x10]  }
0x182: {  	v10 =	vld [tilespmem:s10+$0x10]  }
0x183: {  	s8 =	sand.u32 $0xFFFFFFF0, s8;
	v13 =	vld [tilespmem:s21+$0xFFFFFFF0]  }
0x184: {  	s8 =	sadd.s32 s8, s0;
	v11 =	vld [tilespmem:s21+$0x0]  }
0x185: {  	s11 =	sadd.s32 $0x20, s8;
	s9 =	sadd.s32 $0x3, s7;
	v9 =	vld [tilespmem:s10+$0xFFFFFFF0]  }
0x186: {  	v12 =	vor.u32 s8, v0;
	v15 =	vor.u32 s11, v0;
	p3 =	slt.s32 s9, s16;
	v14 =	vsub.s32 v8, v3;
	v8 =	vld [tilespmem:s10+$0x0]  }
.Ltmp22:
0x187: {  	vm5 =	vge.s32 v15, v6;
	vm6 =	vlt.s32 v15, v7;
	v14 =	vshll.u32 v14, $0x7;
	(pc) =	sbr.rel @!p3 .LBB2_18-.Ltmp22, $4  }
0x188: {  	vm5 =	vmand vm5, vm6;
	v15 =	vsub.s32 v13, v3;
	v14 =	vadd.s32 v14, v10  }
0x189: {  	s11 =	sadd.s32 $0x10, s8;
	v11 =	vsub.s32 v11, v3;
	v13 =	vadd.s32 $0x2000, v14;
	v14 =	vshll.u32 v15, $0x7  }
0x18a: {  	v11 =	vshll.u32 v11, $0x7;
	v15 =	vor.u32 s11, v0;
	v18 =	vadd.s32 v14, v9  }
0x18b: {  	p2 =	por $0x0, $0x0;
	p1 =	por $0x0, $0x0;
	s21 =	sadd.s32 $0x30, s21;
	(xrf1) =	vunique.msk.u32 vm5, v13;
	vm6 =	vge.s32 v15, v6;
	vm7 =	vlt.s32 v15, v7;
	v22 =	vadd.s32 v11, v8  }
0x18c: {  	_ =	sdelay $0x1  }
0x18d: {  	v14 =	vld [tilespmem:s21+$0x10]  }
0x18e: {  	vm5 =	vge.s32 v12, v6  }
0x18f: {  	v15 =	vld [tilespmem:s21+$0x0];
	vm8 =	vlt.s32 v12, v7;
	v16 =	vadd.s32 $0x2000, v18;
	v17 =	vadd.s32 $0x2000, v22  }
0x190: {  	s7 =	sadd.s32 $0x30, s10;
	vm6 =	vmand vm6, vm7;
	v18 =	vld [tilespmem:s21+$0xFFFFFFF0];
	v9 =	vand.u32 $0x7F, v9;
	s10 =	sadd.s32 $0x30, s8;
	v23 =	vand.u32 $0x7F, v8  }
0x191: {  	v25 =	vand.u32 $0xFFFFFF80, v13;
	v26 =	vand.u32 $0x7F, v10;
	v21 =	vld [tilespmem:s7+$0x10];
	v11 =	vand.u32 $0xFFFFFF80, v16;
	s8 =	sadd.s32 $0x20, s10  }
0x192: {  	vm5 =	vmand vm5, vm8;
	v8 =	vld [tilespmem:s7+$0x0];
	s11 =	sadd.s32 $0x10, s10;
	v12 =	vsub.s32 v14, v3;
	v14 =	vor.u32 s8, v0;
	s8 =	sadd.s32 $0x3, s9  }
0x193: {  	v20 =	vand.u32 $0xFFFFFF80, v17;
	(xrf1) =	vunique.msk.u32 vm6, v17;
	v11 =	vor.u32 v9, v11;
	v9 =	vld [tilespmem:s7+$0xFFFFFFF0];
	v17 =	vor.u32 s11, v0;
	p3 =	slt.s32 s8, s16  }
.Ltmp23:
0x194: {  	vm6 =	vge.s32 v17, v6;
	v15 =	vsub.s32 v15, v3;
	v19 =	vshll.u32 v12, $0x7;
	(pc) =	sbr.rel @!p3 .LBB2_33-.Ltmp23, $4  }
0x195: {  	v18 =	vsub.s32 v18, v3;
	vm7 =	vge.s32 v14, v6;
	vm8 =	vlt.s32 v14, v7  }
0x196: {  	v12 =	vor.u32 s10, v0;
	v15 =	vshll.u32 v15, $0x7;
	v14 =	vadd.s32 v19, v21  }
0x197: {  	(xrf1) =	vunique.msk.u32 vm5, v16;
	vm8 =	vmand vm7, vm8;
	v24 =	vadd.s32 $0x2000, v14;
	v14 =	vshll.u32 v18, $0x7  }
0x198: {  	p1 =	por $0x1, $0x1;
	s9 =	sadd.s32 $0x30, s21;
	vm7 =	vlt.s32 v17, v7;
	v22 =	vadd.s32 v15, v8;
	v18 =	vadd.s32 v14, v9;
	(xrf1) =	vunique.msk.u32 vm8, v24;
	_, v19, vm5 =	vpop (xrf1)  }
0x199: {  	_ =	sdelay $0x4  }
0x19a: {  	v13 =	vld [tilespmem:s9+$0x10];
	vm8 =	vge.s32 v12, v6;
	vm9 =	vlt.s32 v12, v7  }
0x19b: {  	v16 =	vor.u32 v26, v25;
	v25 =	vld [tilespmem:s9+$0x0];
	v18 =	vadd.s32 $0x2000, v18;
	v22 =	vadd.s32 $0x2000, v22;
	s21 =	sadd.s32 $0x30, s7  }
0x19c: {  	vm6 =	vmand vm6, vm7;
	v9 =	vand.u32 $0x7F, v9;
	v19 =	vcvt.s32.f32 v19;
	s7 =	sadd.s32 $0x30, s10;
	v10 =	vld [tilespmem:s21+$0x10]  }
0x19d: {  	v15 =	vand.u32 $0x7F, v8;
	v20 =	vor.u32 v23, v20;
	vm7 =	vmand vm8, vm9;
	s10 =	sadd.s32 $0x20, s7;
	_, v23, vm9 =	vpop (xrf1);
	(xrf1) =	vunique.msk.u32 vm6, v22  }
0x19e: {  	v26 =	vld [tilespmem:s9+$0xFFFFFFF0];
	v12 =	vand.u32 $0xFFFFFF80, v18;
	v17 =	vand.u32 $0xFFFFFF80, v22;
	v8 =	vor.u32 s10, v0;
	(xrf1) =	vunique.msk.u32 vm7, v18  }
0x19f: {  	s8 =	sadd.s32 $0x3, s8;
	v14 =	vor.u32 v9, v12;
	v9 =	vld [tilespmem:s21+$0xFFFFFFF0];
	vm8 =	vge.s32 v8, v6;
	v13 =	vsub.s32 v13, v3  }
0x1a0: {  	p3 =	slt.s32 s8, s16;
	vm10 =	vlt.s32 v8, v7;
	v8 =	vld [tilespmem:s21+$0x0];
	v13 =	vshll.u32 v13, $0x7;
	v22 =	vsub.s32 v25, v3  }
.Ltmp24:
0x1a1: {  	v12 =	vor.u32 s7, v0;
	[tilespmem:v16+s20+$0x0] =	vst.idx.add.f32.msk vm5, v19;
	v13 =	vadd.s32 v13, v10;
	v19 =	vshll.u32 v22, $0x7;
	(pc) =	sbr.rel @!p3 .LBB2_35-.Ltmp24, $4  }
0x1a2: {  	s11 =	sadd.s32 $0x10, s7;
	v13 =	vadd.s32 $0x2000, v13;
	vm6 =	vmand vm8, vm10;
	v25 =	vand.u32 $0xFFFFFF80, v24  }
0x1a3: {  	v23 =	vcvt.s32.f32 v23;
	v18 =	vsub.s32 v26, v3;
	v22 =	vor.u32 s11, v0  }
0x1a4: {  	v18 =	vshll.u32 v18, $0x7;
	(xrf1) =	vunique.msk.u32 vm6, v13;
	vm6 =	vge.s32 v22, v6;
	vm7 =	vlt.s32 v22, v7;
	_, v16, vm8 =	vpop (xrf1)  }
0x1a5: {  	s9 =	sadd.s32 $0x30, s9;
	p2 =	por $0x1, $0x1;
	v26 =	vand.u32 $0x7F, v21;
	v22 =	vadd.s32 v19, v8;
	v18 =	vadd.s32 v18, v9;
	_, v19, vm5 =	vpop (xrf1);
	[tilespmem:v20+s20+$0x0] =	vst.idx.add.f32.msk vm9, v23  }
.LBB2_36:
0x1a6: {  	vm10 =	vge.s32 v12, v6  }
0x1a7: {  	v20 =	vld [tilespmem:s9+$0x10];
	s8 =	sadd.s32 $0x3, s8;
	vm11 =	vlt.s32 v12, v7;
	v21 =	vor.u32 v26, v25;
	v23 =	vmovc v10;
	v24 =	vmovc v13;
	vm9 =	vmmov vm8  }
0x1a8: {  	v12 =	vadd.s32 $0x2000, v18;
	v18 =	vadd.s32 $0x2000, v22;
	vm6 =	vmand vm6, vm7;
	s21 =	sadd.s32 $0x30, s21;
	v13 =	vld [tilespmem:s9+$0x0];
	p3 =	slt.s32 s8, s16  }
0x1a9: {  	v25 =	vcvt.s32.f32 v16;
	vm7 =	vmand vm10, vm11;
	v22 =	vand.u32 $0xFFFFFF80, v12;
	v10 =	vld [tilespmem:s21+$0x10];
	(xrf1) =	vunique.msk.u32 vm6, v18  }
0x1aa: {  	v28 =	vand.u32 $0x7F, v9;
	v19 =	vcvt.s32.f32 v19;
	v18 =	vand.u32 $0xFFFFFF80, v18;
	v26 =	vld [tilespmem:s9+$0xFFFFFFF0];
	(xrf1) =	vunique.msk.u32 vm7, v12  }
0x1ab: {  	s7 =	sadd.s32 $0x30, s7;
	v27 =	vor.u32 v15, v17;
	v15 =	vand.u32 $0x7F, v8;
	v22 =	vor.u32 v28, v22;
	v9 =	vld [tilespmem:s21+$0xFFFFFFF0];
	_, v8, vm10 =	vpop (xrf1)  }
0x1ac: {  	s10 =	sadd.s32 $0x10, s7;
	s11 =	sadd.s32 $0x20, s7;
	v12 =	vor.u32 s7, v0;
	v28 =	vsub.s32 v20, v3;
	v20 =	vcvt.s32.f32 v8;
	[tilespmem:v21+s20+$0x0] =	vst.idx.add.f32.msk vm5, v19;
	_, v16, vm8 =	vpop (xrf1)  }
0x1ad: {  	v17 =	vmovc v18;
	v21 =	vor.u32 s11, v0;
	v8 =	vld [tilespmem:s21+$0x0];
	v19 =	vsub.s32 v13, v3;
	v13 =	vshll.u32 v28, $0x7  }
.Ltmp25:
0x1ae: {  	vm5 =	vge.s32 v21, v6;
	vm6 =	vlt.s32 v21, v7;
	v13 =	vadd.s32 v13, v10;
	(pc) =	sbr.rel @p3 .LBB2_36-.Ltmp25, $4  }
0x1af: {  	vm5 =	vmand vm5, vm6;
	v18 =	vsub.s32 v26, v3;
	v13 =	vadd.s32 $0x2000, v13;
	[tilespmem:v11+s20+$0x0] =	vst.idx.add.f32.msk vm9, v25;
	v11 =	vmovc v14  }
0x1b0: {  	v21 =	vor.u32 s10, v0;
	v28 =	vshll.u32 v19, $0x7;
	v14 =	vmovc v22;
	v18 =	vshll.u32 v18, $0x7;
	(xrf1) =	vunique.msk.u32 vm5, v13  }
0x1b1: {  	vm6 =	vge.s32 v21, v6;
	vm7 =	vlt.s32 v21, v7;
	v18 =	vadd.s32 v18, v9  }
0x1b2: {  	s9 =	sadd.s32 $0x30, s9;
	v25 =	vand.u32 $0xFFFFFF80, v24;
	v26 =	vand.u32 $0x7F, v23;
	v22 =	vadd.s32 v28, v8;
	_, v19, vm5 =	vpop (xrf1);
	[tilespmem:v27+s20+$0x0] =	vst.idx.add.f32.msk vm10, v20  }
0x1b3: {  	v21 =	vmovc v11;
	v20 =	vmov v17;
	v23 =	vmov v15;
	v11 =	vmov v14  }
.LBB2_38:
0x1b4: {  	vm9 =	vge.s32 v12, v6  }
0x1b5: {  	vm10 =	vlt.s32 v12, v7;
	v58 =	vadd.s32 $0x2000, v22;
	vm6 =	vmand vm6, vm7  }
0x1b6: {  	v14 =	vadd.s32 $0x2000, v18;
	vm7 =	vmand vm9, vm10;
	(xrf1) =	vunique.msk.u32 vm6, v58  }
0x1b7: {  	(xrf1) =	vunique.msk.u32 vm7, v14;
	_ =	sdelay $0x7  }
0x1b8: {  	v15 =	vor.u32 @p1 v26, v25;
	_, v17, vm7 =	vpop @p1 (xrf1)  }
0x1b9: {  	v18 =	vcvt.s32.f32 @p1 v19;
	v19 =	vor.u32 @p1 v23, v20;
	vm6 =	vmmov @p2 vm8;
	_, v20, vm8 =	vpop @p1 (xrf1)  }
0x1ba: {  	v16 =	vcvt.s32.f32 @p2 v16;
	vm8 =	vmmov @p1 vm8  }
0x1bb: {  	v9 =	vand.u32 $0x7F, v9;
	v13 =	vand.u32 $0xFFFFFF80, v13;
	vm8 =	vmmov @p1 vm8  }
0x1bc: {  	v10 =	vand.u32 $0x7F, v10;
	v8 =	vand.u32 $0x7F, v8;
	v11 =	vpsel p1, v11, v0;
	_, v59, vm14 =	vpop (xrf1)  }
0x1bd: {  	v10 =	vor.u32 v10, v13;
	v12 =	vand.u32 $0xFFFFFF80, v58;
	v14 =	vand.u32 $0xFFFFFF80, v14;
	_, v60, vm15 =	vpop (xrf1)  }
0x1be: {  	v8 =	vor.u32 v8, v12;
	[tilespmem:v15+s20+$0x0] =	vst.idx.add.f32.msk @p1 vm5, v18;
	v15 =	vcvt.s32.f32 @p1 v17;
	v12 =	vpsel p1, v20, v0;
	_, v61, vm11 =	vpop (xrf1)  }
0x1bf: {  	v9 =	vor.u32 v9, v14;
	v12 =	vcvt.s32.f32 @p1 v12;
	[tilespmem:v21+s20+$0x0] =	vst.idx.add.f32.msk @p2 vm6, v16  }
0x1c0: {  	[tilespmem:v19+s20+$0x0] =	vst.idx.add.f32.msk @p1 vm7, v15;
	v62 =	vcvt.s32.f32 v59  }
0x1c1: {  	[tilespmem:v11+s20+$0x0] =	vst.idx.add.f32.msk @p1 vm8, v12;
	v13 =	vcvt.s32.f32 v60  }
0x1c2: {  	[tilespmem:v10+s20+$0x0] =	vst.idx.add.f32.msk vm14, v62;
	v63 =	vcvt.s32.f32 v61  }
0x1c3: {  	[tilespmem:v8+s20+$0x0] =	vst.idx.add.f32.msk vm15, v13  }
0x1c4: {  	vm5 =	vmmov vm11;
	[tilespmem:v9+s20+$0x0] =	vst.idx.add.f32.msk vm11, v63  }
.LBB2_26:
0x1c5: {  	p1 =	sge.s32 s16, s14  }
.Ltmp26:
0x1c6: {  	_ = 	snop;
	(pc) =	sbr.rel @p1 .LBB2_29-.Ltmp26, $1  }
0x1c7: {  	_ =	sdelay $0x3  }
0x1c8: {  	p1 =	slt.s32 s29, s24;
	s7 =	smov.u32 s24  }
0x1c9: {  	s7 =	smov.u32 @p1 s29  }
0x1ca: {  	s7 =	ssub.s32 s7, s0  }
0x1cb: {  	s8 =	sadd.s32 $0xF, s7  }
0x1cc: {  	s7 =	ssub.s32 s31, s15;
	s9 =	sshll.u32 s8, $0x2  }
0x1cd: {  	s10 =	sshll.u32 s7, $0x6;
	s9 =	sand.u32 $0xFFFFFFC0, s9  }
0x1ce: {  	s14 =	sand.u32 $0xFFFFFFF0, s8;
	s16 =	ssub.s32 s9, s10  }
0x1cf: {  	s31 =	sshll.u32 s7, $0x4;
	s21 =	sadd.s32 s14, s0;
	s8 =	sshra.s32 s16, $0x2  }
0x1d0: {  	s9 =	ssub.s32 s21, s31;
	s0 =	sadd.s32 $0x4000, s8  }
.LBB2_28:
0x1d1: {  	v8 =	vld [tilespmem:s8+$0x0];
	_ =	sdelay $0x1  }
0x1d2: {  	v9 =	vld [tilespmem:s0+$0x0];
	_ =	sdelay $0x2  }
0x1d3: {  	v8 =	vsub.s32 v8, v3  }
0x1d4: {  	v10 =	vor.u32 s9, v0;
	v8 =	vshll.u32 v8, $0x7  }
0x1d5: {  	vm5 =	vge.s32 v10, v6;
	vm6 =	vlt.s32 v10, v7;
	v8 =	vadd.s32 v8, v9  }
0x1d6: {  	vm5 =	vmand vm5, vm6;
	v8 =	vadd.s32 $0x2000, v8  }
0x1d7: {  	(xrf1) =	vunique.msk.u32 vm5, v8;
	_ =	sdelay $0xd  }
0x1d8: {  	v9 =	vand.u32 $0x7F, v9;
	v8 =	vand.u32 $0xFFFFFF80, v8;
	_, v62, vm5 =	vpop (xrf1)  }
0x1d9: {  	p1 =	sne.s32 s7, $0x1;
	v8 =	vor.u32 v9, v8  }
.Ltmp27:
0x1da: {  	_ = 	snop;
	(pc) =	sbr.rel @p1 .LBB2_28-.Ltmp27, $4  }
0x1db: {  	_ = 	snop  }
0x1dc: {  	v63 =	vcvt.s32.f32 v62  }
0x1dd: {  	s8 =	sadd.s32 $0x10, s8  }
0x1de: {  	s0 =	sadd.s32 $0x10, s0;
	s9 =	sadd.s32 $0x10, s9;
	s7 =	sadd.s32 $0xFFFFFFFF, s7;
	[tilespmem:v8+s20+$0x0] =	vst.idx.add.f32.msk vm5, v63  }
.Ltmp28:
0x1df: {  	_ = 	snop;
	(pc) =	sbr.rel .LBB2_29-.Ltmp28, $1  }
0x1e0: {  	_ =	sdelay $0x3  }
.LBB2_18:
.Ltmp29:
0x1e1: {  	(pc) =	sbr.rel .LBB2_38-.Ltmp29, $2  }
0x1e2: {  	_ =	sdelay $0x2  }
0x1e3: {  	_ = 	snop  }
.LBB2_33:
.Ltmp30:
0x1e4: {  	(pc) =	sbr.rel .LBB2_38-.Ltmp30, $2  }
0x1e5: {  	_ =	sdelay $0x2  }
0x1e6: {  	v10 =	vmov v21;
	v13 =	vmov v24  }
.LBB2_35:
.Ltmp31:
0x1e7: {  	(pc) =	sbr.rel .LBB2_38-.Ltmp31, $2  }
0x1e8: {  	_ =	sdelay $0x2  }
0x1e9: {  	v21 =	vmovc v11;
	v20 =	vmov v17;
	v23 =	vmov v15;
	v11 =	vmov v14  }
.LBB2_31:
0x1ea: {  	_ =	sfence.sel $0x180000  }
0x1eb: {  	[bflag:$0x0] =	sbarrier.arrive $0xFFFF  }
0x1ec: {  	_ =	strace $0x90000047  }
0x1ed: {  	[bflag:$0x2] =	sbarrier.arrive $0xFFFF  }
0x1ee: {  	s0 =	rddreg [dreg:$0x4]  }
0x1ef: {  	s0 =	sadd.s32 @!p0 $0x100000, s0  }
0x1f0: {  	[sflag:s0] =	ssyncadd.tile.s32 @!p0 $0x1;
	_ =	shalt  }
.Lfunc_end2:
_tile_overlayer_lowered:
.L_overlay_start_2:
0x1f1: {  	(tag) =	ssettag $0x2  }
0x1f2: {  	s0 =	rddreg [dreg:$0x0];
	s2 =	stileid.u32  }
0x1f3: {  	s1 =	rddreg [dreg:$0x1];
	p0 =	sne.s32 s2, $0x0  }
0x1f4: {  	s3 =	rddreg [dreg:$0x2];
	[bflag:$0x3] =	sbarrier.arrive $0xFFFF;
	s2 =	simm.s32 @!p0 $0x1C03  }
0x1f5: {  	[timem:s3], [sflag:s2] =	dma.local @!p0 [hbm:s0], s1  }
0x1f6: {  	s0 =	simm.s32 @!p0 $0x3  }
0x1f7: {  	_ =	swait.ge @!p0 [sflag:s0], s1  }
0x1f8: {  	s1 =	ssub.s32 @!p0 $0x0, s1;
	[sflag:s0] =	ssyncset.done @!p0 $0x0  }
0x1f9: {  	[sflag:s0] =	ssyncadd.s32 @!p0 s1  }
0x1fa: {  	[bflag:$0x3] =	sbarrier.arrive $0xFFFF  }
0x1fb: {  	_ =	shalt  }

</sc_bundles>
